<compile_context>
chip_gen: v7x
topology: tpu7x:2x2x1
jax: 0.10.2.dev20260603
libtpu: 0.0.44.dev20260713+nightly
codegen_flags: <defaults>
</compile_context>

<pallas_src>
import functools

import jax
import jax.numpy as jnp
from jax import lax
from jax.experimental import pallas as pl
from jax.experimental.pallas import tpu as pltpu
from jax.experimental.pallas import tpu_sc as plsc

NCLS = 80
NPROP = 20000
NGT = 100
GPAD = 112
L = 16
GB = 5


def _body(nc, ns, pw, tl, px1, py1, px2, py2, g1, g2, g3, g4, gcls,
          ovals, oidxs, ocls, ob1, ob2, ob3, ob4, ooh,
          pv1, pv2, pv3, pv4, vg, vcls, vb, vmi,
          sv, si, sc, sb1, sb2, sb3, sb4, voh, sem, psem):
    wid = lax.axis_index("s") * nc + lax.axis_index("c")
    nw = nc * ns
    base = wid * pw
    last = wid == nw - 1

    cps = [
        pltpu.async_copy(g1, vg.at[pl.ds(0, NGT)], sem),
        pltpu.async_copy(g2, vg.at[pl.ds(GPAD, NGT)], sem),
        pltpu.async_copy(g3, vg.at[pl.ds(2 * GPAD, NGT)], sem),
        pltpu.async_copy(g4, vg.at[pl.ds(3 * GPAD, NGT)], sem),
        pltpu.async_copy(gcls, vcls.at[pl.ds(0, NGT)], sem),
    ]

    @pl.when(jnp.logical_not(last))
    def _():
        pltpu.async_copy(px1.at[pl.ds(base, pw)], pv1, psem)
        pltpu.async_copy(py1.at[pl.ds(base, pw)], pv2, psem)
        pltpu.async_copy(px2.at[pl.ds(base, pw)], pv3, psem)
        pltpu.async_copy(py2.at[pl.ds(base, pw)], pv4, psem)

    @pl.when(last)
    def _():
        ds = pl.ds(base, tl)
        dd = pl.ds(0, tl)
        pltpu.async_copy(px1.at[ds], pv1.at[dd], psem)
        pltpu.async_copy(py1.at[ds], pv2.at[dd], psem)
        pltpu.async_copy(px2.at[ds], pv3.at[dd], psem)
        pltpu.async_copy(py2.at[ds], pv4.at[dd], psem)

    for c in cps:
        c.wait()

    lane = lax.iota(jnp.int32, L)

    def bcast(m, _):
        sidx = jnp.full((L,), m, jnp.int32)
        gx1 = plsc.load_gather(vg, [sidx])
        gy1 = plsc.load_gather(vg, [sidx + GPAD])
        gx2 = plsc.load_gather(vg, [sidx + 2 * GPAD])
        gy2 = plsc.load_gather(vg, [sidx + 3 * GPAD])
        mo = m * L
        vb[pl.ds(mo, L)] = gx1
        vb[pl.ds(NGT * L + mo, L)] = gy1
        vb[pl.ds(2 * NGT * L + mo, L)] = gx2
        vb[pl.ds(3 * NGT * L + mo, L)] = gy2
        vb[pl.ds(4 * NGT * L + mo, L)] = (gx2 - gx1) * (gy2 - gy1)
        vmi[pl.ds(mo, L)] = sidx
        return 0

    lax.fori_loop(0, NGT, bcast, 0)

    @pl.when(jnp.logical_not(last))
    def _():
        pltpu.make_async_copy(px1.at[pl.ds(base, pw)], pv1, psem).wait()
        pltpu.make_async_copy(py1.at[pl.ds(base, pw)], pv2, psem).wait()
        pltpu.make_async_copy(px2.at[pl.ds(base, pw)], pv3, psem).wait()
        pltpu.make_async_copy(py2.at[pl.ds(base, pw)], pv4, psem).wait()

    @pl.when(last)
    def _():
        ds = pl.ds(base, tl)
        dd = pl.ds(0, tl)
        pltpu.make_async_copy(px1.at[ds], pv1.at[dd], psem).wait()
        pltpu.make_async_copy(py1.at[ds], pv2.at[dd], psem).wait()
        pltpu.make_async_copy(px2.at[ds], pv3.at[dd], psem).wait()
        pltpu.make_async_copy(py2.at[ds], pv4.at[dd], psem).wait()

    nblk = pw // (GB * L)

    @plsc.parallel_loop(0, nblk, step=1)
    def bbody(b):
        off = b * (GB * L)
        offs = [off + j * L for j in range(GB)]
        x1s = [pv1[pl.ds(o, L)] for o in offs]
        y1s = [pv2[pl.ds(o, L)] for o in offs]
        x2s = [pv3[pl.ds(o, L)] for o in offs]
        y2s = [pv4[pl.ds(o, L)] for o in offs]
        pas = [(x2s[j] - x1s[j]) * (y2s[j] - y1s[j]) for j in range(GB)]

        zf = jnp.zeros((L,), jnp.float32)
        onef = jnp.ones((L,), jnp.float32)
        zi = jnp.zeros((L,), jnp.int32)
        init = (tuple(zf for _ in range(GB)),
                tuple(onef for _ in range(GB)),
                tuple(zi for _ in range(GB)))

        def mbody(m, carry):
            bis, bus, bids = carry
            mo = m * L
            gx1 = vb[pl.ds(mo, L)]
            gy1 = vb[pl.ds(NGT * L + mo, L)]
            gx2 = vb[pl.ds(2 * NGT * L + mo, L)]
            gy2 = vb[pl.ds(3 * NGT * L + mo, L)]
            ga = vb[pl.ds(4 * NGT * L + mo, L)]
            midx = vmi[pl.ds(mo, L)]
            nbi, nbu, nbd = [], [], []
            for j in range(GB):
                ltx = jnp.maximum(gx1, x1s[j])
                lty = jnp.maximum(gy1, y1s[j])
                rbx = jnp.minimum(gx2, x2s[j])
                rby = jnp.minimum(gy2, y2s[j])
                w = jnp.maximum(rbx - ltx, 0.0)
                inter = w * (rby - lty)
                sums = ga + pas[j]
                upd = inter * bus[j] > bis[j] * sums
                nbi.append(jnp.where(upd, inter, bis[j]))
                nbu.append(jnp.where(upd, sums, bus[j]))
                nbd.append(jnp.where(upd, midx, bids[j]))
            return (tuple(nbi), tuple(nbu), tuple(nbd))

        bis, bus, bids = lax.fori_loop(0, NGT, mbody, init)

        for j in range(GB):
            o = offs[j]
            vals = bis[j] / (bus[j] - bis[j])
            fg = vals >= 0.5
            idx = bids[j]
            cls = plsc.load_gather(vcls, [idx])
            cls = jnp.where(fg, cls, NCLS)
            sv[pl.ds(o, L)] = vals
            si[pl.ds(o, L)] = idx
            sc[pl.ds(o, L)] = cls
            sb1[pl.ds(o, L)] = plsc.load_gather(vg, [idx])
            sb2[pl.ds(o, L)] = plsc.load_gather(vg, [idx + GPAD])
            sb3[pl.ds(o, L)] = plsc.load_gather(vg, [idx + 2 * GPAD])
            sb4[pl.ds(o, L)] = plsc.load_gather(vg, [idx + 3 * GPAD])

    @pl.when(wid == 0)
    def _():
        zf16 = jnp.zeros((L,), jnp.float32)
        for c in range(96 // L):
            voh[pl.ds(c * L, L)] = zf16
        voh[pl.ds(NCLS, L)] = jnp.where(lane == 0, 1.0, 0.0)
        ones = jnp.ones((L,), jnp.float32)
        for c in range(GPAD // L):
            ids = vcls[pl.ds(c * L, L)]
            if (c + 1) * L <= NGT:
                plsc.store_scatter(voh, [ids], ones)
            else:
                plsc.store_scatter(voh, [ids], ones,
                                   mask=lane + c * L < NGT)
        pltpu.sync_copy(voh.at[pl.ds(0, NCLS + 1)], ooh)

    @pl.when(jnp.logical_not(last))
    def _():
        sl = pl.ds(base, pw)
        for c in [pltpu.async_copy(sv, ovals.at[sl], sem),
                  pltpu.async_copy(si, oidxs.at[sl], sem),
                  pltpu.async_copy(sc, ocls.at[sl], sem),
                  pltpu.async_copy(sb1, ob1.at[sl], sem),
                  pltpu.async_copy(sb2, ob2.at[sl], sem),
                  pltpu.async_copy(sb3, ob3.at[sl], sem),
                  pltpu.async_copy(sb4, ob4.at[sl], sem)]:
            c.wait()

    @pl.when(last)
    def _():
        sl = pl.ds(base, tl)
        dd = pl.ds(0, tl)
        for c in [pltpu.async_copy(sv.at[dd], ovals.at[sl], sem),
                  pltpu.async_copy(si.at[dd], oidxs.at[sl], sem),
                  pltpu.async_copy(sc.at[dd], ocls.at[sl], sem),
                  pltpu.async_copy(sb1.at[dd], ob1.at[sl], sem),
                  pltpu.async_copy(sb2.at[dd], ob2.at[sl], sem),
                  pltpu.async_copy(sb3.at[dd], ob3.at[sl], sem),
                  pltpu.async_copy(sb4.at[dd], ob4.at[sl], sem)]:
            c.wait()


def kernel(proposal_boxes, gt_boxes, gt_classes):
    try:
        info = plsc.get_sparse_core_info()
        nc, ns = info.num_cores, info.num_subcores
    except Exception:
        nc, ns = 2, 16
    nw = nc * ns
    blk = GB * L
    pw = (-(-NPROP // nw) + blk - 1) // blk * blk
    tl = NPROP - (nw - 1) * pw

    px1, py1, px2, py2 = (proposal_boxes[:, k] for k in range(4))
    g1, g2, g3, g4 = (gt_boxes[:, k] for k in range(4))
    gcls = gt_classes.astype(jnp.int32)

    mesh = plsc.VectorSubcoreMesh(core_axis_name="c", subcore_axis_name="s",
                                  num_cores=nc, num_subcores=ns)
    f32, i32 = jnp.float32, jnp.int32
    out_type = (
        jax.ShapeDtypeStruct((NPROP,), f32),
        jax.ShapeDtypeStruct((NPROP,), i32),
        jax.ShapeDtypeStruct((NPROP,), i32),
        jax.ShapeDtypeStruct((NPROP,), f32),
        jax.ShapeDtypeStruct((NPROP,), f32),
        jax.ShapeDtypeStruct((NPROP,), f32),
        jax.ShapeDtypeStruct((NPROP,), f32),
        jax.ShapeDtypeStruct((NCLS + 1,), f32),
    )
    scratch = [
        pltpu.VMEM((pw,), f32), pltpu.VMEM((pw,), f32),
        pltpu.VMEM((pw,), f32), pltpu.VMEM((pw,), f32),
        pltpu.VMEM((4 * GPAD,), f32),
        pltpu.VMEM((GPAD,), i32),
        pltpu.VMEM((5 * NGT * L,), f32),
        pltpu.VMEM((NGT * L,), i32),
        pltpu.VMEM((pw,), f32), pltpu.VMEM((pw,), i32),
        pltpu.VMEM((pw,), i32),
        pltpu.VMEM((pw,), f32), pltpu.VMEM((pw,), f32),
        pltpu.VMEM((pw,), f32), pltpu.VMEM((pw,), f32),
        pltpu.VMEM((96,), f32),
        pltpu.SemaphoreType.DMA,
        pltpu.SemaphoreType.DMA,
    ]
    run = pl.kernel(functools.partial(_body, nc, ns, pw, tl),
                    out_type=out_type, mesh=mesh, scratch_types=scratch,
                    compiler_params=pltpu.CompilerParams(
                        needs_layout_passes=False))
    vals, idxs, cls, b1, b2, b3, b4, oh = run(
        px1, py1, px2, py2, g1, g2, g3, g4, gcls)
    boxes = jnp.stack([b1, b2, b3, b4], axis=1)
    return (vals, idxs, cls, boxes, oh)

# --- scband reference (transcript-rebuilt; emitter-appended) ---
"""Pipeline reference for scband-weak-roiheads-40389872451674 (READ-ONLY COPY).

The authoritative reference and input builder live on the scoring server;
editing this copy changes nothing except your own understanding.
"""

import jax, jax.numpy as jnp
import numpy as np

NUM_CLASSES = 80
N_PROPOSALS = 20000
N_GT = 100


def _make_boxes(key, n, img=1024.0, max_wh=256.0):
    k1, k2 = jax.random.split(key)
    xy = jax.random.uniform(k1, (n, 2), dtype=jnp.float32) * img
    wh = jax.random.uniform(k2, (n, 2), dtype=jnp.float32) * max_wh + 1.0
    return jnp.concatenate([xy, xy + wh], axis=1)


def setup_inputs(seed: int = 0) -> dict:
    key = jax.random.key(seed)
    k1, k2, k3 = jax.random.split(key, 3)
    proposal_boxes = _make_boxes(k1, N_PROPOSALS)
    gt_boxes = _make_boxes(k2, N_GT)
    gt_classes = jax.random.randint(k3, (N_GT,), 0, NUM_CLASSES)
    return {"proposal_boxes": proposal_boxes, "gt_boxes": gt_boxes, "gt_classes": gt_classes}


def _pairwise_iou(b1, b2):
    # b1: [M,4] gt, b2: [N,4] proposals -> iou [M,N]
    area1 = (b1[:, 2] - b1[:, 0]) * (b1[:, 3] - b1[:, 1])
    area2 = (b2[:, 2] - b2[:, 0]) * (b2[:, 3] - b2[:, 1])
    lt = jnp.maximum(b1[:, None, :2], b2[None, :, :2])
    rb = jnp.minimum(b1[:, None, 2:], b2[None, :, 2:])
    wh = jnp.clip(rb - lt, 0.0)
    inter = wh[..., 0] * wh[..., 1]
    union = area1[:, None] + area2[None, :] - inter
    return jnp.where(union > 0, inter / jnp.maximum(union, 1e-12), 0.0)


def reference(proposal_boxes, gt_boxes, gt_classes):
    # match_quality_matrix = pairwise_iou(gt, proposals)
    iou = _pairwise_iou(gt_boxes, proposal_boxes)  # [M, N]
    # Matcher([0.5], [0,1], allow_low_quality_matches=False)
    matched_vals = jnp.max(iou, axis=0)            # [N]
    matched_idxs = jnp.argmax(iou, axis=0)         # [N]
    matched_labels = (matched_vals >= 0.5).astype(jnp.int32)
    # _sample_proposals: gather gt class per proposal, relabel bg
    prop_classes = jnp.take(gt_classes, matched_idxs, axis=0)
    prop_classes = jnp.where(matched_labels == 0, NUM_CLASSES, prop_classes)
    # gather matched gt boxes per proposal
    matched_gt_boxes = jnp.take(gt_boxes, matched_idxs, axis=0)
    # get_image_level_gt: one-hot over classes + background column = 1
    oh = jnp.zeros((NUM_CLASSES + 1,), jnp.float32).at[gt_classes].set(1.0)
    oh = oh.at[NUM_CLASSES].set(1.0)
    return matched_vals, matched_idxs, prop_classes, matched_gt_boxes, oh

if __name__ == "__main__":
    import jax
    _d = setup_inputs()
    print(jax.jit(kernel)(*tuple(_d.values())))

</pallas_src>

<mosaic_0001>
#map = affine_map<(d0, d1) -> (0)>
module attributes {stable_mosaic.version = 14 : i64} {
  func.func @_body(%arg0: i32, %arg1: i32, %arg2: memref<20000xf32, #tpu.memory_space<hbm>>, %arg3: memref<20000xf32, #tpu.memory_space<hbm>>, %arg4: memref<20000xf32, #tpu.memory_space<hbm>>, %arg5: memref<20000xf32, #tpu.memory_space<hbm>>, %arg6: memref<100xf32, #tpu.memory_space<hbm>>, %arg7: memref<100xf32, #tpu.memory_space<hbm>>, %arg8: memref<100xf32, #tpu.memory_space<hbm>>, %arg9: memref<100xf32, #tpu.memory_space<hbm>>, %arg10: memref<100xi32, #tpu.memory_space<hbm>>, %arg11: memref<20000xf32, #tpu.memory_space<hbm>>, %arg12: memref<20000xi32, #tpu.memory_space<hbm>>, %arg13: memref<20000xi32, #tpu.memory_space<hbm>>, %arg14: memref<20000xf32, #tpu.memory_space<hbm>>, %arg15: memref<20000xf32, #tpu.memory_space<hbm>>, %arg16: memref<20000xf32, #tpu.memory_space<hbm>>, %arg17: memref<20000xf32, #tpu.memory_space<hbm>>, %arg18: memref<81xf32, #tpu.memory_space<hbm>>, %arg19: memref<640xf32, #tpu.memory_space<vmem>>, %arg20: memref<640xf32, #tpu.memory_space<vmem>>, %arg21: memref<640xf32, #tpu.memory_space<vmem>>, %arg22: memref<640xf32, #tpu.memory_space<vmem>>, %arg23: memref<448xf32, #tpu.memory_space<vmem>>, %arg24: memref<112xi32, #tpu.memory_space<vmem>>, %arg25: memref<8000xf32, #tpu.memory_space<vmem>>, %arg26: memref<1600xi32, #tpu.memory_space<vmem>>, %arg27: memref<640xf32, #tpu.memory_space<vmem>>, %arg28: memref<640xi32, #tpu.memory_space<vmem>>, %arg29: memref<640xi32, #tpu.memory_space<vmem>>, %arg30: memref<640xf32, #tpu.memory_space<vmem>>, %arg31: memref<640xf32, #tpu.memory_space<vmem>>, %arg32: memref<640xf32, #tpu.memory_space<vmem>>, %arg33: memref<640xf32, #tpu.memory_space<vmem>>, %arg34: memref<96xf32, #tpu.memory_space<vmem>>, %arg35: memref<!tpu.dma_semaphore, #tpu.memory_space<semaphore_mem>>, %arg36: memref<!tpu.dma_semaphore, #tpu.memory_space<semaphore_mem>>) attributes {dimension_semantics = [#tpu.dimension_semantics<core_parallel>, #tpu.dimension_semantics<subcore_parallel>], iteration_bounds = array<i64: 2, 16>, scalar_prefetch = 0 : i64, scratch_operands = 18 : i64, tpu.core_type = #tpu.core_type<sc_vector_subcore>, window_params = [{transform_indices = #map}, {transform_indices = #map}, {transform_indices = #map}, {transform_indices = #map}, {transform_indices = #map}, {transform_indices = #map}, {transform_indices = #map}, {transform_indices = #map}, {transform_indices = #map}, {transform_indices = #map}, {transform_indices = #map}, {transform_indices = #map}, {transform_indices = #map}, {transform_indices = #map}, {transform_indices = #map}, {transform_indices = #map}, {transform_indices = #map}]} {
    %mul3A = arith.constant 2 : i32
    %mul3A_0 = arith.muli %arg1, %mul3A : i32
    %add3A = arith.addi %mul3A_0, %arg0 : i32
    %mul3A_1 = arith.constant 640 : i32
    %mul3A_2 = arith.muli %add3A, %mul3A_1 : i32
    %eq3A = arith.constant 31 : i32
    %eq3A_3 = arith.cmpi eq, %add3A, %eq3A : i32
    %dma_start3A = arith.constant 0 : i32
    %dma_start3A_4 = tpu.memref_slice %arg23[%dma_start3A] : memref<448xf32, #tpu.memory_space<vmem>> -> memref<100xf32, #tpu.memory_space<vmem>>
    %dma_start3A_5 = arith.constant 0 : i32
    %dma_start3A_6 = tpu.memref_slice %arg23[%dma_start3A_5] : memref<448xf32, #tpu.memory_space<vmem>> -> memref<100xf32, #tpu.memory_space<vmem>>
    tpu.enqueue_dma source(%arg6 : memref<100xf32, #tpu.memory_space<hbm>>) target(%dma_start3A_6 : memref<100xf32, #tpu.memory_space<vmem>>) target_semaphore(%arg35 : memref<!tpu.dma_semaphore, #tpu.memory_space<semaphore_mem>>)
    %dma_start3A_7 = arith.constant 112 : i32
    %dma_start3A_8 = tpu.memref_slice %arg23[%dma_start3A_7] : memref<448xf32, #tpu.memory_space<vmem>> -> memref<100xf32, #tpu.memory_space<vmem>>
    %dma_start3A_9 = arith.constant 112 : i32
    %dma_start3A_10 = tpu.memref_slice %arg23[%dma_start3A_9] : memref<448xf32, #tpu.memory_space<vmem>> -> memref<100xf32, #tpu.memory_space<vmem>>
    tpu.enqueue_dma source(%arg7 : memref<100xf32, #tpu.memory_space<hbm>>) target(%dma_start3A_10 : memref<100xf32, #tpu.memory_space<vmem>>) target_semaphore(%arg35 : memref<!tpu.dma_semaphore, #tpu.memory_space<semaphore_mem>>)
    %dma_start3A_11 = arith.constant 224 : i32
    %dma_start3A_12 = tpu.memref_slice %arg23[%dma_start3A_11] : memref<448xf32, #tpu.memory_space<vmem>> -> memref<100xf32, #tpu.memory_space<vmem>>
    %dma_start3A_13 = arith.constant 224 : i32
    %dma_start3A_14 = tpu.memref_slice %arg23[%dma_start3A_13] : memref<448xf32, #tpu.memory_space<vmem>> -> memref<100xf32, #tpu.memory_space<vmem>>
    tpu.enqueue_dma source(%arg8 : memref<100xf32, #tpu.memory_space<hbm>>) target(%dma_start3A_14 : memref<100xf32, #tpu.memory_space<vmem>>) target_semaphore(%arg35 : memref<!tpu.dma_semaphore, #tpu.memory_space<semaphore_mem>>)
    %dma_start3A_15 = arith.constant 336 : i32
    %dma_start3A_16 = tpu.memref_slice %arg23[%dma_start3A_15] : memref<448xf32, #tpu.memory_space<vmem>> -> memref<100xf32, #tpu.memory_space<vmem>>
    %dma_start3A_17 = arith.constant 336 : i32
    %dma_start3A_18 = tpu.memref_slice %arg23[%dma_start3A_17] : memref<448xf32, #tpu.memory_space<vmem>> -> memref<100xf32, #tpu.memory_space<vmem>>
    tpu.enqueue_dma source(%arg9 : memref<100xf32, #tpu.memory_space<hbm>>) target(%dma_start3A_18 : memref<100xf32, #tpu.memory_space<vmem>>) target_semaphore(%arg35 : memref<!tpu.dma_semaphore, #tpu.memory_space<semaphore_mem>>)
    %dma_start3A_19 = arith.constant 0 : i32
    %dma_start3A_20 = tpu.memref_slice %arg24[%dma_start3A_19] : memref<112xi32, #tpu.memory_space<vmem>> -> memref<100xi32, #tpu.memory_space<vmem>>
    %dma_start3A_21 = arith.constant 0 : i32
    %dma_start3A_22 = tpu.memref_slice %arg24[%dma_start3A_21] : memref<112xi32, #tpu.memory_space<vmem>> -> memref<100xi32, #tpu.memory_space<vmem>>
    tpu.enqueue_dma source(%arg10 : memref<100xi32, #tpu.memory_space<hbm>>) target(%dma_start3A_22 : memref<100xi32, #tpu.memory_space<vmem>>) target_semaphore(%arg35 : memref<!tpu.dma_semaphore, #tpu.memory_space<semaphore_mem>>)
    %not3A = arith.constant true
    %not3A_23 = arith.xori %eq3A_3, %not3A : i1
    %convert_element_type3A = arith.extui %not3A_23 : i1 to i32
    %cond3A = arith.constant 0 : i32
    %cond3A_24 = arith.cmpi ne, %convert_element_type3A, %cond3A : i32
    scf.if %cond3A_24 {
      %dma_start3A_76 = tpu.memref_slice %arg2[%mul3A_2] : memref<20000xf32, #tpu.memory_space<hbm>> -> memref<640xf32, #tpu.memory_space<hbm>>
      %dma_start3A_77 = tpu.memref_slice %arg2[%mul3A_2] : memref<20000xf32, #tpu.memory_space<hbm>> -> memref<640xf32, #tpu.memory_space<hbm>>
      tpu.enqueue_dma source(%dma_start3A_77 : memref<640xf32, #tpu.memory_space<hbm>>) target(%arg19 : memref<640xf32, #tpu.memory_space<vmem>>) target_semaphore(%arg36 : memref<!tpu.dma_semaphore, #tpu.memory_space<semaphore_mem>>)
      %dma_start3A_78 = tpu.memref_slice %arg3[%mul3A_2] : memref<20000xf32, #tpu.memory_space<hbm>> -> memref<640xf32, #tpu.memory_space<hbm>>
      %dma_start3A_79 = tpu.memref_slice %arg3[%mul3A_2] : memref<20000xf32, #tpu.memory_space<hbm>> -> memref<640xf32, #tpu.memory_space<hbm>>
      tpu.enqueue_dma source(%dma_start3A_79 : memref<640xf32, #tpu.memory_space<hbm>>) target(%arg20 : memref<640xf32, #tpu.memory_space<vmem>>) target_semaphore(%arg36 : memref<!tpu.dma_semaphore, #tpu.memory_space<semaphore_mem>>)
      %dma_start3A_80 = tpu.memref_slice %arg4[%mul3A_2] : memref<20000xf32, #tpu.memory_space<hbm>> -> memref<640xf32, #tpu.memory_space<hbm>>
      %dma_start3A_81 = tpu.memref_slice %arg4[%mul3A_2] : memref<20000xf32, #tpu.memory_space<hbm>> -> memref<640xf32, #tpu.memory_space<hbm>>
      tpu.enqueue_dma source(%dma_start3A_81 : memref<640xf32, #tpu.memory_space<hbm>>) target(%arg21 : memref<640xf32, #tpu.memory_space<vmem>>) target_semaphore(%arg36 : memref<!tpu.dma_semaphore, #tpu.memory_space<semaphore_mem>>)
      %dma_start3A_82 = tpu.memref_slice %arg5[%mul3A_2] : memref<20000xf32, #tpu.memory_space<hbm>> -> memref<640xf32, #tpu.memory_space<hbm>>
      %dma_start3A_83 = tpu.memref_slice %arg5[%mul3A_2] : memref<20000xf32, #tpu.memory_space<hbm>> -> memref<640xf32, #tpu.memory_space<hbm>>
      tpu.enqueue_dma source(%dma_start3A_83 : memref<640xf32, #tpu.memory_space<hbm>>) target(%arg22 : memref<640xf32, #tpu.memory_space<vmem>>) target_semaphore(%arg36 : memref<!tpu.dma_semaphore, #tpu.memory_space<semaphore_mem>>)
    } else {
    }
    %convert_element_type3A_25 = arith.extui %eq3A_3 : i1 to i32
    %cond3A_26 = arith.constant 0 : i32
    %cond3A_27 = arith.cmpi ne, %convert_element_type3A_25, %cond3A_26 : i32
    scf.if %cond3A_27 {
      %dma_start3A_76 = arith.constant 0 : i32
      %dma_start3A_77 = tpu.memref_slice %arg19[%dma_start3A_76] : memref<640xf32, #tpu.memory_space<vmem>> -> memref<160xf32, #tpu.memory_space<vmem>>
      %dma_start3A_78 = tpu.memref_slice %arg2[%mul3A_2] : memref<20000xf32, #tpu.memory_space<hbm>> -> memref<160xf32, #tpu.memory_space<hbm>>
      %dma_start3A_79 = arith.constant 0 : i32
      %dma_start3A_80 = tpu.memref_slice %arg19[%dma_start3A_79] : memref<640xf32, #tpu.memory_space<vmem>> -> memref<160xf32, #tpu.memory_space<vmem>>
      %dma_start3A_81 = tpu.memref_slice %arg2[%mul3A_2] : memref<20000xf32, #tpu.memory_space<hbm>> -> memref<160xf32, #tpu.memory_space<hbm>>
      tpu.enqueue_dma source(%dma_start3A_81 : memref<160xf32, #tpu.memory_space<hbm>>) target(%dma_start3A_80 : memref<160xf32, #tpu.memory_space<vmem>>) target_semaphore(%arg36 : memref<!tpu.dma_semaphore, #tpu.memory_space<semaphore_mem>>)
      %dma_start3A_82 = arith.constant 0 : i32
      %dma_start3A_83 = tpu.memref_slice %arg20[%dma_start3A_82] : memref<640xf32, #tpu.memory_space<vmem>> -> memref<160xf32, #tpu.memory_space<vmem>>
      %dma_start3A_84 = tpu.memref_slice %arg3[%mul3A_2] : memref<20000xf32, #tpu.memory_space<hbm>> -> memref<160xf32, #tpu.memory_space<hbm>>
      %dma_start3A_85 = arith.constant 0 : i32
      %dma_start3A_86 = tpu.memref_slice %arg20[%dma_start3A_85] : memref<640xf32, #tpu.memory_space<vmem>> -> memref<160xf32, #tpu.memory_space<vmem>>
      %dma_start3A_87 = tpu.memref_slice %arg3[%mul3A_2] : memref<20000xf32, #tpu.memory_space<hbm>> -> memref<160xf32, #tpu.memory_space<hbm>>
      tpu.enqueue_dma source(%dma_start3A_87 : memref<160xf32, #tpu.memory_space<hbm>>) target(%dma_start3A_86 : memref<160xf32, #tpu.memory_space<vmem>>) target_semaphore(%arg36 : memref<!tpu.dma_semaphore, #tpu.memory_space<semaphore_mem>>)
      %dma_start3A_88 = arith.constant 0 : i32
      %dma_start3A_89 = tpu.memref_slice %arg21[%dma_start3A_88] : memref<640xf32, #tpu.memory_space<vmem>> -> memref<160xf32, #tpu.memory_space<vmem>>
      %dma_start3A_90 = tpu.memref_slice %arg4[%mul3A_2] : memref<20000xf32, #tpu.memory_space<hbm>> -> memref<160xf32, #tpu.memory_space<hbm>>
      %dma_start3A_91 = arith.constant 0 : i32
      %dma_start3A_92 = tpu.memref_slice %arg21[%dma_start3A_91] : memref<640xf32, #tpu.memory_space<vmem>> -> memref<160xf32, #tpu.memory_space<vmem>>
      %dma_start3A_93 = tpu.memref_slice %arg4[%mul3A_2] : memref<20000xf32, #tpu.memory_space<hbm>> -> memref<160xf32, #tpu.memory_space<hbm>>
      tpu.enqueue_dma source(%dma_start3A_93 : memref<160xf32, #tpu.memory_space<hbm>>) target(%dma_start3A_92 : memref<160xf32, #tpu.memory_space<vmem>>) target_semaphore(%arg36 : memref<!tpu.dma_semaphore, #tpu.memory_space<semaphore_mem>>)
      %dma_start3A_94 = arith.constant 0 : i32
      %dma_start3A_95 = tpu.memref_slice %arg22[%dma_start3A_94] : memref<640xf32, #tpu.memory_space<vmem>> -> memref<160xf32, #tpu.memory_space<vmem>>
      %dma_start3A_96 = tpu.memref_slice %arg5[%mul3A_2] : memref<20000xf32, #tpu.memory_space<hbm>> -> memref<160xf32, #tpu.memory_space<hbm>>
      %dma_start3A_97 = arith.constant 0 : i32
      %dma_start3A_98 = tpu.memref_slice %arg22[%dma_start3A_97] : memref<640xf32, #tpu.memory_space<vmem>> -> memref<160xf32, #tpu.memory_space<vmem>>
      %dma_start3A_99 = tpu.memref_slice %arg5[%mul3A_2] : memref<20000xf32, #tpu.memory_space<hbm>> -> memref<160xf32, #tpu.memory_space<hbm>>
      tpu.enqueue_dma source(%dma_start3A_99 : memref<160xf32, #tpu.memory_space<hbm>>) target(%dma_start3A_98 : memref<160xf32, #tpu.memory_space<vmem>>) target_semaphore(%arg36 : memref<!tpu.dma_semaphore, #tpu.memory_space<semaphore_mem>>)
    } else {
    }
    %dma_wait3A = arith.constant 0 : i32
    %dma_wait3A_28 = tpu.memref_slice %arg23[%dma_wait3A] : memref<448xf32, #tpu.memory_space<vmem>> -> memref<100xf32, #tpu.memory_space<vmem>>
    %dma_wait3A_29 = arith.constant 0 : i32
    %dma_wait3A_30 = tpu.memref_slice %arg23[%dma_wait3A_29] : memref<448xf32, #tpu.memory_space<vmem>> -> memref<100xf32, #tpu.memory_space<vmem>>
    tpu.wait_dma2 semaphore(%arg35 : memref<!tpu.dma_semaphore, #tpu.memory_space<semaphore_mem>>) src(%arg6 : memref<100xf32, #tpu.memory_space<hbm>>) dst(%dma_wait3A_30 : memref<100xf32, #tpu.memory_space<vmem>>)
    %dma_wait3A_31 = arith.constant 112 : i32
    %dma_wait3A_32 = tpu.memref_slice %arg23[%dma_wait3A_31] : memref<448xf32, #tpu.memory_space<vmem>> -> memref<100xf32, #tpu.memory_space<vmem>>
    %dma_wait3A_33 = arith.constant 112 : i32
    %dma_wait3A_34 = tpu.memref_slice %arg23[%dma_wait3A_33] : memref<448xf32, #tpu.memory_space<vmem>> -> memref<100xf32, #tpu.memory_space<vmem>>
    tpu.wait_dma2 semaphore(%arg35 : memref<!tpu.dma_semaphore, #tpu.memory_space<semaphore_mem>>) src(%arg7 : memref<100xf32, #tpu.memory_space<hbm>>) dst(%dma_wait3A_34 : memref<100xf32, #tpu.memory_space<vmem>>)
    %dma_wait3A_35 = arith.constant 224 : i32
    %dma_wait3A_36 = tpu.memref_slice %arg23[%dma_wait3A_35] : memref<448xf32, #tpu.memory_space<vmem>> -> memref<100xf32, #tpu.memory_space<vmem>>
    %dma_wait3A_37 = arith.constant 224 : i32
    %dma_wait3A_38 = tpu.memref_slice %arg23[%dma_wait3A_37] : memref<448xf32, #tpu.memory_space<vmem>> -> memref<100xf32, #tpu.memory_space<vmem>>
    tpu.wait_dma2 semaphore(%arg35 : memref<!tpu.dma_semaphore, #tpu.memory_space<semaphore_mem>>) src(%arg8 : memref<100xf32, #tpu.memory_space<hbm>>) dst(%dma_wait3A_38 : memref<100xf32, #tpu.memory_space<vmem>>)
    %dma_wait3A_39 = arith.constant 336 : i32
    %dma_wait3A_40 = tpu.memref_slice %arg23[%dma_wait3A_39] : memref<448xf32, #tpu.memory_space<vmem>> -> memref<100xf32, #tpu.memory_space<vmem>>
    %dma_wait3A_41 = arith.constant 336 : i32
    %dma_wait3A_42 = tpu.memref_slice %arg23[%dma_wait3A_41] : memref<448xf32, #tpu.memory_space<vmem>> -> memref<100xf32, #tpu.memory_space<vmem>>
    tpu.wait_dma2 semaphore(%arg35 : memref<!tpu.dma_semaphore, #tpu.memory_space<semaphore_mem>>) src(%arg9 : memref<100xf32, #tpu.memory_space<hbm>>) dst(%dma_wait3A_42 : memref<100xf32, #tpu.memory_space<vmem>>)
    %dma_wait3A_43 = arith.constant 0 : i32
    %dma_wait3A_44 = tpu.memref_slice %arg24[%dma_wait3A_43] : memref<112xi32, #tpu.memory_space<vmem>> -> memref<100xi32, #tpu.memory_space<vmem>>
    %dma_wait3A_45 = arith.constant 0 : i32
    %dma_wait3A_46 = tpu.memref_slice %arg24[%dma_wait3A_45] : memref<112xi32, #tpu.memory_space<vmem>> -> memref<100xi32, #tpu.memory_space<vmem>>
    tpu.wait_dma2 semaphore(%arg35 : memref<!tpu.dma_semaphore, #tpu.memory_space<semaphore_mem>>) src(%arg10 : memref<100xi32, #tpu.memory_space<hbm>>) dst(%dma_wait3A_46 : memref<100xi32, #tpu.memory_space<vmem>>)
    %iota3A = tpu.iota {dimensions = array<i32: 0>} : vector<16xi32>
    %scan3A = arith.constant 0 : i32
    %scan3A_47 = arith.constant 0 : i32
    %scan3A_48 = arith.constant 100 : i32
    %scan3A_49 = arith.addi %scan3A_47, %scan3A_48 : i32
    %scan3A_50 = arith.constant 1 : i32
    %scan3A_51 = scf.for %scan3A_76 = %scan3A_47 to %scan3A_49 step %scan3A_50 iter_args(%scan3A_77 = %scan3A) -> (i32)  : i32 {
      %broadcast_in_dim3A = vector.broadcast %scan3A_76 : i32 to vector<16xi32>
      %gather3A = tpu.vector_load_idx %arg23[%broadcast_in_dim3A] : memref<448xf32, #tpu.memory_space<vmem>>[vector<16xi32>], vector<16xf32>,
      %add3A_78 = arith.constant 112 : i32
      %add3A_79 = vector.broadcast %add3A_78 : i32 to vector<16xi32>
      %add3A_80 = arith.addi %broadcast_in_dim3A, %add3A_79 : vector<16xi32>
      %gather3A_81 = tpu.vector_load_idx %arg23[%add3A_80] : memref<448xf32, #tpu.memory_space<vmem>>[vector<16xi32>], vector<16xf32>,
      %add3A_82 = arith.constant 224 : i32
      %add3A_83 = vector.broadcast %add3A_82 : i32 to vector<16xi32>
      %add3A_84 = arith.addi %broadcast_in_dim3A, %add3A_83 : vector<16xi32>
      %gather3A_85 = tpu.vector_load_idx %arg23[%add3A_84] : memref<448xf32, #tpu.memory_space<vmem>>[vector<16xi32>], vector<16xf32>,
      %add3A_86 = arith.constant 336 : i32
      %add3A_87 = vector.broadcast %add3A_86 : i32 to vector<16xi32>
      %add3A_88 = arith.addi %broadcast_in_dim3A, %add3A_87 : vector<16xi32>
      %gather3A_89 = tpu.vector_load_idx %arg23[%add3A_88] : memref<448xf32, #tpu.memory_space<vmem>>[vector<16xi32>], vector<16xf32>,
      %mul3A_90 = arith.constant 16 : i32
      %mul3A_91 = arith.muli %scan3A_76, %mul3A_90 : i32
      %swap3A = arith.index_cast %mul3A_91 : i32 to index
      %swap3A_92 = tpu.vector_load %arg25[%swap3A] {strides = array<i32>} : memref<8000xf32, #tpu.memory_space<vmem>>, vector<16xf32>,
      tpu.vector_store %arg25[%swap3A], %gather3A {strides = array<i32>} : memref<8000xf32, #tpu.memory_space<vmem>>, vector<16xf32>,
      %add3A_93 = arith.constant 1600 : i32
      %add3A_94 = arith.addi %add3A_93, %mul3A_91 : i32
      %swap3A_95 = arith.index_cast %add3A_94 : i32 to index
      %swap3A_96 = tpu.vector_load %arg25[%swap3A_95] {strides = array<i32>} : memref<8000xf32, #tpu.memory_space<vmem>>, vector<16xf32>,
      tpu.vector_store %arg25[%swap3A_95], %gather3A_81 {strides = array<i32>} : memref<8000xf32, #tpu.memory_space<vmem>>, vector<16xf32>,
      %add3A_97 = arith.constant 3200 : i32
      %add3A_98 = arith.addi %add3A_97, %mul3A_91 : i32
      %swap3A_99 = arith.index_cast %add3A_98 : i32 to index
      %swap3A_100 = tpu.vector_load %arg25[%swap3A_99] {strides = array<i32>} : memref<8000xf32, #tpu.memory_space<vmem>>, vector<16xf32>,
      tpu.vector_store %arg25[%swap3A_99], %gather3A_85 {strides = array<i32>} : memref<8000xf32, #tpu.memory_space<vmem>>, vector<16xf32>,
      %add3A_101 = arith.constant 4800 : i32
      %add3A_102 = arith.addi %add3A_101, %mul3A_91 : i32
      %swap3A_103 = arith.index_cast %add3A_102 : i32 to index
      %swap3A_104 = tpu.vector_load %arg25[%swap3A_103] {strides = array<i32>} : memref<8000xf32, #tpu.memory_space<vmem>>, vector<16xf32>,
      tpu.vector_store %arg25[%swap3A_103], %gather3A_89 {strides = array<i32>} : memref<8000xf32, #tpu.memory_space<vmem>>, vector<16xf32>,
      %sub3A = arith.subf %gather3A_85, %gather3A : vector<16xf32>
      %sub3A_105 = arith.subf %gather3A_89, %gather3A_81 : vector<16xf32>
      %mul3A_106 = arith.mulf %sub3A, %sub3A_105 : vector<16xf32>
      %add3A_107 = arith.constant 6400 : i32
      %add3A_108 = arith.addi %add3A_107, %mul3A_91 : i32
      %swap3A_109 = arith.index_cast %add3A_108 : i32 to index
      %swap3A_110 = tpu.vector_load %arg25[%swap3A_109] {strides = array<i32>} : memref<8000xf32, #tpu.memory_space<vmem>>, vector<16xf32>,
      tpu.vector_store %arg25[%swap3A_109], %mul3A_106 {strides = array<i32>} : memref<8000xf32, #tpu.memory_space<vmem>>, vector<16xf32>,
      %swap3A_111 = arith.index_cast %mul3A_91 : i32 to index
      %swap3A_112 = tpu.vector_load %arg26[%swap3A_111] {strides = array<i32>} : memref<1600xi32, #tpu.memory_space<vmem>>, vector<16xi32>,
      tpu.vector_store %arg26[%swap3A_111], %broadcast_in_dim3A {strides = array<i32>} : memref<1600xi32, #tpu.memory_space<vmem>>, vector<16xi32>,
      %scan3A_113 = arith.constant 0 : i32
      scf.yield %scan3A_113 : i32
    }
    %scan3A_52 = arith.constant 100 : i32
    %not3A_53 = arith.constant true
    %not3A_54 = arith.xori %eq3A_3, %not3A_53 : i1
    %convert_element_type3A_55 = arith.extui %not3A_54 : i1 to i32
    %cond3A_56 = arith.constant 0 : i32
    %cond3A_57 = arith.cmpi ne, %convert_element_type3A_55, %cond3A_56 : i32
    scf.if %cond3A_57 {
      %dma_wait3A_76 = tpu.memref_slice %arg2[%mul3A_2] : memref<20000xf32, #tpu.memory_space<hbm>> -> memref<640xf32, #tpu.memory_space<hbm>>
      %dma_wait3A_77 = tpu.memref_slice %arg2[%mul3A_2] : memref<20000xf32, #tpu.memory_space<hbm>> -> memref<640xf32, #tpu.memory_space<hbm>>
      tpu.wait_dma2 semaphore(%arg36 : memref<!tpu.dma_semaphore, #tpu.memory_space<semaphore_mem>>) src(%dma_wait3A_77 : memref<640xf32, #tpu.memory_space<hbm>>) dst(%arg19 : memref<640xf32, #tpu.memory_space<vmem>>)
      %dma_wait3A_78 = tpu.memref_slice %arg3[%mul3A_2] : memref<20000xf32, #tpu.memory_space<hbm>> -> memref<640xf32, #tpu.memory_space<hbm>>
      %dma_wait3A_79 = tpu.memref_slice %arg3[%mul3A_2] : memref<20000xf32, #tpu.memory_space<hbm>> -> memref<640xf32, #tpu.memory_space<hbm>>
      tpu.wait_dma2 semaphore(%arg36 : memref<!tpu.dma_semaphore, #tpu.memory_space<semaphore_mem>>) src(%dma_wait3A_79 : memref<640xf32, #tpu.memory_space<hbm>>) dst(%arg20 : memref<640xf32, #tpu.memory_space<vmem>>)
      %dma_wait3A_80 = tpu.memref_slice %arg4[%mul3A_2] : memref<20000xf32, #tpu.memory_space<hbm>> -> memref<640xf32, #tpu.memory_space<hbm>>
      %dma_wait3A_81 = tpu.memref_slice %arg4[%mul3A_2] : memref<20000xf32, #tpu.memory_space<hbm>> -> memref<640xf32, #tpu.memory_space<hbm>>
      tpu.wait_dma2 semaphore(%arg36 : memref<!tpu.dma_semaphore, #tpu.memory_space<semaphore_mem>>) src(%dma_wait3A_81 : memref<640xf32, #tpu.memory_space<hbm>>) dst(%arg21 : memref<640xf32, #tpu.memory_space<vmem>>)
      %dma_wait3A_82 = tpu.memref_slice %arg5[%mul3A_2] : memref<20000xf32, #tpu.memory_space<hbm>> -> memref<640xf32, #tpu.memory_space<hbm>>
      %dma_wait3A_83 = tpu.memref_slice %arg5[%mul3A_2] : memref<20000xf32, #tpu.memory_space<hbm>> -> memref<640xf32, #tpu.memory_space<hbm>>
      tpu.wait_dma2 semaphore(%arg36 : memref<!tpu.dma_semaphore, #tpu.memory_space<semaphore_mem>>) src(%dma_wait3A_83 : memref<640xf32, #tpu.memory_space<hbm>>) dst(%arg22 : memref<640xf32, #tpu.memory_space<vmem>>)
    } else {
    }
    %convert_element_type3A_58 = arith.extui %eq3A_3 : i1 to i32
    %cond3A_59 = arith.constant 0 : i32
    %cond3A_60 = arith.cmpi ne, %convert_element_type3A_58, %cond3A_59 : i32
    scf.if %cond3A_60 {
      %dma_wait3A_76 = arith.constant 0 : i32
      %dma_wait3A_77 = tpu.memref_slice %arg19[%dma_wait3A_76] : memref<640xf32, #tpu.memory_space<vmem>> -> memref<160xf32, #tpu.memory_space<vmem>>
      %dma_wait3A_78 = tpu.memref_slice %arg2[%mul3A_2] : memref<20000xf32, #tpu.memory_space<hbm>> -> memref<160xf32, #tpu.memory_space<hbm>>
      %dma_wait3A_79 = arith.constant 0 : i32
      %dma_wait3A_80 = tpu.memref_slice %arg19[%dma_wait3A_79] : memref<640xf32, #tpu.memory_space<vmem>> -> memref<160xf32, #tpu.memory_space<vmem>>
      %dma_wait3A_81 = tpu.memref_slice %arg2[%mul3A_2] : memref<20000xf32, #tpu.memory_space<hbm>> -> memref<160xf32, #tpu.memory_space<hbm>>
      tpu.wait_dma2 semaphore(%arg36 : memref<!tpu.dma_semaphore, #tpu.memory_space<semaphore_mem>>) src(%dma_wait3A_81 : memref<160xf32, #tpu.memory_space<hbm>>) dst(%dma_wait3A_80 : memref<160xf32, #tpu.memory_space<vmem>>)
      %dma_wait3A_82 = arith.constant 0 : i32
      %dma_wait3A_83 = tpu.memref_slice %arg20[%dma_wait3A_82] : memref<640xf32, #tpu.memory_space<vmem>> -> memref<160xf32, #tpu.memory_space<vmem>>
      %dma_wait3A_84 = tpu.memref_slice %arg3[%mul3A_2] : memref<20000xf32, #tpu.memory_space<hbm>> -> memref<160xf32, #tpu.memory_space<hbm>>
      %dma_wait3A_85 = arith.constant 0 : i32
      %dma_wait3A_86 = tpu.memref_slice %arg20[%dma_wait3A_85] : memref<640xf32, #tpu.memory_space<vmem>> -> memref<160xf32, #tpu.memory_space<vmem>>
      %dma_wait3A_87 = tpu.memref_slice %arg3[%mul3A_2] : memref<20000xf32, #tpu.memory_space<hbm>> -> memref<160xf32, #tpu.memory_space<hbm>>
      tpu.wait_dma2 semaphore(%arg36 : memref<!tpu.dma_semaphore, #tpu.memory_space<semaphore_mem>>) src(%dma_wait3A_87 : memref<160xf32, #tpu.memory_space<hbm>>) dst(%dma_wait3A_86 : memref<160xf32, #tpu.memory_space<vmem>>)
      %dma_wait3A_88 = arith.constant 0 : i32
      %dma_wait3A_89 = tpu.memref_slice %arg21[%dma_wait3A_88] : memref<640xf32, #tpu.memory_space<vmem>> -> memref<160xf32, #tpu.memory_space<vmem>>
      %dma_wait3A_90 = tpu.memref_slice %arg4[%mul3A_2] : memref<20000xf32, #tpu.memory_space<hbm>> -> memref<160xf32, #tpu.memory_space<hbm>>
      %dma_wait3A_91 = arith.constant 0 : i32
      %dma_wait3A_92 = tpu.memref_slice %arg21[%dma_wait3A_91] : memref<640xf32, #tpu.memory_space<vmem>> -> memref<160xf32, #tpu.memory_space<vmem>>
      %dma_wait3A_93 = tpu.memref_slice %arg4[%mul3A_2] : memref<20000xf32, #tpu.memory_space<hbm>> -> memref<160xf32, #tpu.memory_space<hbm>>
      tpu.wait_dma2 semaphore(%arg36 : memref<!tpu.dma_semaphore, #tpu.memory_space<semaphore_mem>>) src(%dma_wait3A_93 : memref<160xf32, #tpu.memory_space<hbm>>) dst(%dma_wait3A_92 : memref<160xf32, #tpu.memory_space<vmem>>)
      %dma_wait3A_94 = arith.constant 0 : i32
      %dma_wait3A_95 = tpu.memref_slice %arg22[%dma_wait3A_94] : memref<640xf32, #tpu.memory_space<vmem>> -> memref<160xf32, #tpu.memory_space<vmem>>
      %dma_wait3A_96 = tpu.memref_slice %arg5[%mul3A_2] : memref<20000xf32, #tpu.memory_space<hbm>> -> memref<160xf32, #tpu.memory_space<hbm>>
      %dma_wait3A_97 = arith.constant 0 : i32
      %dma_wait3A_98 = tpu.memref_slice %arg22[%dma_wait3A_97] : memref<640xf32, #tpu.memory_space<vmem>> -> memref<160xf32, #tpu.memory_space<vmem>>
      %dma_wait3A_99 = tpu.memref_slice %arg5[%mul3A_2] : memref<20000xf32, #tpu.memory_space<hbm>> -> memref<160xf32, #tpu.memory_space<hbm>>
      tpu.wait_dma2 semaphore(%arg36 : memref<!tpu.dma_semaphore, #tpu.memory_space<semaphore_mem>>) src(%dma_wait3A_99 : memref<160xf32, #tpu.memory_space<hbm>>) dst(%dma_wait3A_98 : memref<160xf32, #tpu.memory_space<vmem>>)
    } else {
    }
    %parallel_loop3A = arith.constant 0 : i32
    %parallel_loop3A_61 = arith.constant 8 : i32
    %parallel_loop3A_62 = arith.constant 1 : i32
    scf.for %parallel_loop3A_76 = %parallel_loop3A to %parallel_loop3A_61 step %parallel_loop3A_62  : i32 {
      %parallel_loop3A_77 = arith.constant 80 : i32
      %parallel_loop3A_78 = arith.muli %parallel_loop3A_76, %parallel_loop3A_77 : i32
      %parallel_loop3A_79 = arith.constant 0 : i32
      %parallel_loop3A_80 = arith.addi %parallel_loop3A_78, %parallel_loop3A_79 : i32
      %parallel_loop3A_81 = arith.constant 16 : i32
      %parallel_loop3A_82 = arith.addi %parallel_loop3A_78, %parallel_loop3A_81 : i32
      %parallel_loop3A_83 = arith.constant 32 : i32
      %parallel_loop3A_84 = arith.addi %parallel_loop3A_78, %parallel_loop3A_83 : i32
      %parallel_loop3A_85 = arith.constant 48 : i32
      %parallel_loop3A_86 = arith.addi %parallel_loop3A_78, %parallel_loop3A_85 : i32
      %parallel_loop3A_87 = arith.constant 64 : i32
      %parallel_loop3A_88 = arith.addi %parallel_loop3A_78, %parallel_loop3A_87 : i32
      %parallel_loop3A_89 = arith.index_cast %parallel_loop3A_80 : i32 to index
      %parallel_loop3A_90 = tpu.vector_load %arg19[%parallel_loop3A_89] {strides = array<i32>} : memref<640xf32, #tpu.memory_space<vmem>>, vector<16xf32>,
      %parallel_loop3A_91 = arith.index_cast %parallel_loop3A_82 : i32 to index
      %parallel_loop3A_92 = tpu.vector_load %arg19[%parallel_loop3A_91] {strides = array<i32>} : memref<640xf32, #tpu.memory_space<vmem>>, vector<16xf32>,
      %parallel_loop3A_93 = arith.index_cast %parallel_loop3A_84 : i32 to index
      %parallel_loop3A_94 = tpu.vector_load %arg19[%parallel_loop3A_93] {strides = array<i32>} : memref<640xf32, #tpu.memory_space<vmem>>, vector<16xf32>,
      %parallel_loop3A_95 = arith.index_cast %parallel_loop3A_86 : i32 to index
      %parallel_loop3A_96 = tpu.vector_load %arg19[%parallel_loop3A_95] {strides = array<i32>} : memref<640xf32, #tpu.memory_space<vmem>>, vector<16xf32>,
      %parallel_loop3A_97 = arith.index_cast %parallel_loop3A_88 : i32 to index
      %parallel_loop3A_98 = tpu.vector_load %arg19[%parallel_loop3A_97] {strides = array<i32>} : memref<640xf32, #tpu.memory_space<vmem>>, vector<16xf32>,
      %parallel_loop3A_99 = arith.index_cast %parallel_loop3A_80 : i32 to index
      %parallel_loop3A_100 = tpu.vector_load %arg20[%parallel_loop3A_99] {strides = array<i32>} : memref<640xf32, #tpu.memory_space<vmem>>, vector<16xf32>,
      %parallel_loop3A_101 = arith.index_cast %parallel_loop3A_82 : i32 to index
      %parallel_loop3A_102 = tpu.vector_load %arg20[%parallel_loop3A_101] {strides = array<i32>} : memref<640xf32, #tpu.memory_space<vmem>>, vector<16xf32>,
      %parallel_loop3A_103 = arith.index_cast %parallel_loop3A_84 : i32 to index
      %parallel_loop3A_104 = tpu.vector_load %arg20[%parallel_loop3A_103] {strides = array<i32>} : memref<640xf32, #tpu.memory_space<vmem>>, vector<16xf32>,
      %parallel_loop3A_105 = arith.index_cast %parallel_loop3A_86 : i32 to index
      %parallel_loop3A_106 = tpu.vector_load %arg20[%parallel_loop3A_105] {strides = array<i32>} : memref<640xf32, #tpu.memory_space<vmem>>, vector<16xf32>,
      %parallel_loop3A_107 = arith.index_cast %parallel_loop3A_88 : i32 to index
      %parallel_loop3A_108 = tpu.vector_load %arg20[%parallel_loop3A_107] {strides = array<i32>} : memref<640xf32, #tpu.memory_space<vmem>>, vector<16xf32>,
      %parallel_loop3A_109 = arith.index_cast %parallel_loop3A_80 : i32 to index
      %parallel_loop3A_110 = tpu.vector_load %arg21[%parallel_loop3A_109] {strides = array<i32>} : memref<640xf32, #tpu.memory_space<vmem>>, vector<16xf32>,
      %parallel_loop3A_111 = arith.index_cast %parallel_loop3A_82 : i32 to index
      %parallel_loop3A_112 = tpu.vector_load %arg21[%parallel_loop3A_111] {strides = array<i32>} : memref<640xf32, #tpu.memory_space<vmem>>, vector<16xf32>,
      %parallel_loop3A_113 = arith.index_cast %parallel_loop3A_84 : i32 to index
      %parallel_loop3A_114 = tpu.vector_load %arg21[%parallel_loop3A_113] {strides = array<i32>} : memref<640xf32, #tpu.memory_space<vmem>>, vector<16xf32>,
      %parallel_loop3A_115 = arith.index_cast %parallel_loop3A_86 : i32 to index
      %parallel_loop3A_116 = tpu.vector_load %arg21[%parallel_loop3A_115] {strides = array<i32>} : memref<640xf32, #tpu.memory_space<vmem>>, vector<16xf32>,
      %parallel_loop3A_117 = arith.index_cast %parallel_loop3A_88 : i32 to index
      %parallel_loop3A_118 = tpu.vector_load %arg21[%parallel_loop3A_117] {strides = array<i32>} : memref<640xf32, #tpu.memory_space<vmem>>, vector<16xf32>,
      %parallel_loop3A_119 = arith.index_cast %parallel_loop3A_80 : i32 to index
      %parallel_loop3A_120 = tpu.vector_load %arg22[%parallel_loop3A_119] {strides = array<i32>} : memref<640xf32, #tpu.memory_space<vmem>>, vector<16xf32>,
      %parallel_loop3A_121 = arith.index_cast %parallel_loop3A_82 : i32 to index
      %parallel_loop3A_122 = tpu.vector_load %arg22[%parallel_loop3A_121] {strides = array<i32>} : memref<640xf32, #tpu.memory_space<vmem>>, vector<16xf32>,
      %parallel_loop3A_123 = arith.index_cast %parallel_loop3A_84 : i32 to index
      %parallel_loop3A_124 = tpu.vector_load %arg22[%parallel_loop3A_123] {strides = array<i32>} : memref<640xf32, #tpu.memory_space<vmem>>, vector<16xf32>,
      %parallel_loop3A_125 = arith.index_cast %parallel_loop3A_86 : i32 to index
      %parallel_loop3A_126 = tpu.vector_load %arg22[%parallel_loop3A_125] {strides = array<i32>} : memref<640xf32, #tpu.memory_space<vmem>>, vector<16xf32>,
      %parallel_loop3A_127 = arith.index_cast %parallel_loop3A_88 : i32 to index
      %parallel_loop3A_128 = tpu.vector_load %arg22[%parallel_loop3A_127] {strides = array<i32>} : memref<640xf32, #tpu.memory_space<vmem>>, vector<16xf32>,
      %parallel_loop3A_129 = arith.subf %parallel_loop3A_110, %parallel_loop3A_90 : vector<16xf32>
      %parallel_loop3A_130 = arith.subf %parallel_loop3A_120, %parallel_loop3A_100 : vector<16xf32>
      %parallel_loop3A_131 = arith.mulf %parallel_loop3A_129, %parallel_loop3A_130 : vector<16xf32>
      %parallel_loop3A_132 = arith.subf %parallel_loop3A_112, %parallel_loop3A_92 : vector<16xf32>
      %parallel_loop3A_133 = arith.subf %parallel_loop3A_122, %parallel_loop3A_102 : vector<16xf32>
      %parallel_loop3A_134 = arith.mulf %parallel_loop3A_132, %parallel_loop3A_133 : vector<16xf32>
      %parallel_loop3A_135 = arith.subf %parallel_loop3A_114, %parallel_loop3A_94 : vector<16xf32>
      %parallel_loop3A_136 = arith.subf %parallel_loop3A_124, %parallel_loop3A_104 : vector<16xf32>
      %parallel_loop3A_137 = arith.mulf %parallel_loop3A_135, %parallel_loop3A_136 : vector<16xf32>
      %parallel_loop3A_138 = arith.subf %parallel_loop3A_116, %parallel_loop3A_96 : vector<16xf32>
      %parallel_loop3A_139 = arith.subf %parallel_loop3A_126, %parallel_loop3A_106 : vector<16xf32>
      %parallel_loop3A_140 = arith.mulf %parallel_loop3A_138, %parallel_loop3A_139 : vector<16xf32>
      %parallel_loop3A_141 = arith.subf %parallel_loop3A_118, %parallel_loop3A_98 : vector<16xf32>
      %parallel_loop3A_142 = arith.subf %parallel_loop3A_128, %parallel_loop3A_108 : vector<16xf32>
      %parallel_loop3A_143 = arith.mulf %parallel_loop3A_141, %parallel_loop3A_142 : vector<16xf32>
      %parallel_loop3A_144 = arith.constant 0.000000e+00 : f32
      %parallel_loop3A_145 = vector.broadcast %parallel_loop3A_144 : f32 to vector<16xf32>
      %parallel_loop3A_146 = arith.constant 1.000000e+00 : f32
      %parallel_loop3A_147 = vector.broadcast %parallel_loop3A_146 : f32 to vector<16xf32>
      %parallel_loop3A_148 = arith.constant 0 : i32
      %parallel_loop3A_149 = vector.broadcast %parallel_loop3A_148 : i32 to vector<16xi32>
      %parallel_loop3A_150 = arith.constant 0 : i32
      %parallel_loop3A_151 = arith.constant 100 : i32
      %parallel_loop3A_152 = arith.addi %parallel_loop3A_150, %parallel_loop3A_151 : i32
      %parallel_loop3A_153 = arith.constant 1 : i32
      %parallel_loop3A_154:15 = scf.for %scan3A_336 = %parallel_loop3A_150 to %parallel_loop3A_152 step %parallel_loop3A_153 iter_args(%scan3A_337 = %parallel_loop3A_145, %scan3A_338 = %parallel_loop3A_145, %scan3A_339 = %parallel_loop3A_145, %scan3A_340 = %parallel_loop3A_145, %scan3A_341 = %parallel_loop3A_145, %scan3A_342 = %parallel_loop3A_147, %scan3A_343 = %parallel_loop3A_147, %scan3A_344 = %parallel_loop3A_147, %scan3A_345 = %parallel_loop3A_147, %scan3A_346 = %parallel_loop3A_147, %scan3A_347 = %parallel_loop3A_149, %scan3A_348 = %parallel_loop3A_149, %scan3A_349 = %parallel_loop3A_149, %scan3A_350 = %parallel_loop3A_149, %scan3A_351 = %parallel_loop3A_149) -> (vector<16xf32>, vector<16xf32>, vector<16xf32>, vector<16xf32>, vector<16xf32>, vector<16xf32>, vector<16xf32>, vector<16xf32>, vector<16xf32>, vector<16xf32>, vector<16xi32>, vector<16xi32>, vector<16xi32>, vector<16xi32>, vector<16xi32>)  : i32 {
        %parallel_loop3A_352 = arith.constant 16 : i32
        %parallel_loop3A_353 = arith.muli %scan3A_336, %parallel_loop3A_352 : i32
        %parallel_loop3A_354 = arith.index_cast %parallel_loop3A_353 : i32 to index
        %parallel_loop3A_355 = tpu.vector_load %arg25[%parallel_loop3A_354] {strides = array<i32>} : memref<8000xf32, #tpu.memory_space<vmem>>, vector<16xf32>,
        %parallel_loop3A_356 = arith.constant 1600 : i32
        %parallel_loop3A_357 = arith.addi %parallel_loop3A_356, %parallel_loop3A_353 : i32
        %parallel_loop3A_358 = arith.index_cast %parallel_loop3A_357 : i32 to index
        %parallel_loop3A_359 = tpu.vector_load %arg25[%parallel_loop3A_358] {strides = array<i32>} : memref<8000xf32, #tpu.memory_space<vmem>>, vector<16xf32>,
        %parallel_loop3A_360 = arith.constant 3200 : i32
        %parallel_loop3A_361 = arith.addi %parallel_loop3A_360, %parallel_loop3A_353 : i32
        %parallel_loop3A_362 = arith.index_cast %parallel_loop3A_361 : i32 to index
        %parallel_loop3A_363 = tpu.vector_load %arg25[%parallel_loop3A_362] {strides = array<i32>} : memref<8000xf32, #tpu.memory_space<vmem>>, vector<16xf32>,
        %parallel_loop3A_364 = arith.constant 4800 : i32
        %parallel_loop3A_365 = arith.addi %parallel_loop3A_364, %parallel_loop3A_353 : i32
        %parallel_loop3A_366 = arith.index_cast %parallel_loop3A_365 : i32 to index
        %parallel_loop3A_367 = tpu.vector_load %arg25[%parallel_loop3A_366] {strides = array<i32>} : memref<8000xf32, #tpu.memory_space<vmem>>, vector<16xf32>,
        %parallel_loop3A_368 = arith.constant 6400 : i32
        %parallel_loop3A_369 = arith.addi %parallel_loop3A_368, %parallel_loop3A_353 : i32
        %parallel_loop3A_370 = arith.index_cast %parallel_loop3A_369 : i32 to index
        %parallel_loop3A_371 = tpu.vector_load %arg25[%parallel_loop3A_370] {strides = array<i32>} : memref<8000xf32, #tpu.memory_space<vmem>>, vector<16xf32>,
        %parallel_loop3A_372 = arith.index_cast %parallel_loop3A_353 : i32 to index
        %parallel_loop3A_373 = tpu.vector_load %arg26[%parallel_loop3A_372] {strides = array<i32>} : memref<1600xi32, #tpu.memory_space<vmem>>, vector<16xi32>,
        %parallel_loop3A_374 = arith.maximumf %parallel_loop3A_355, %parallel_loop3A_90 : vector<16xf32>
        %parallel_loop3A_375 = arith.maximumf %parallel_loop3A_359, %parallel_loop3A_100 : vector<16xf32>
        %parallel_loop3A_376 = arith.minimumf %parallel_loop3A_363, %parallel_loop3A_110 : vector<16xf32>
        %parallel_loop3A_377 = arith.minimumf %parallel_loop3A_367, %parallel_loop3A_120 : vector<16xf32>
        %parallel_loop3A_378 = arith.subf %parallel_loop3A_376, %parallel_loop3A_374 : vector<16xf32>
        %parallel_loop3A_379 = arith.constant 0.000000e+00 : f32
        %parallel_loop3A_380 = vector.broadcast %parallel_loop3A_379 : f32 to vector<16xf32>
        %parallel_loop3A_381 = arith.maximumf %parallel_loop3A_378, %parallel_loop3A_380 : vector<16xf32>
        %parallel_loop3A_382 = arith.subf %parallel_loop3A_377, %parallel_loop3A_375 : vector<16xf32>
        %parallel_loop3A_383 = arith.mulf %parallel_loop3A_381, %parallel_loop3A_382 : vector<16xf32>
        %parallel_loop3A_384 = arith.addf %parallel_loop3A_371, %parallel_loop3A_131 : vector<16xf32>
        %parallel_loop3A_385 = arith.mulf %parallel_loop3A_383, %scan3A_342 : vector<16xf32>
        %parallel_loop3A_386 = arith.mulf %scan3A_337, %parallel_loop3A_384 : vector<16xf32>
        %parallel_loop3A_387 = arith.cmpf ogt, %parallel_loop3A_385, %parallel_loop3A_386 : vector<16xf32>
        %parallel_loop3A_388 = arith.select %parallel_loop3A_387, %parallel_loop3A_383, %scan3A_337 : vector<16xi1>, vector<16xf32>
        %parallel_loop3A_389 = arith.select %parallel_loop3A_387, %parallel_loop3A_384, %scan3A_342 : vector<16xi1>, vector<16xf32>
        %parallel_loop3A_390 = arith.select %parallel_loop3A_387, %parallel_loop3A_373, %scan3A_347 : vector<16xi1>, vector<16xi32>
        %parallel_loop3A_391 = arith.maximumf %parallel_loop3A_355, %parallel_loop3A_92 : vector<16xf32>
        %parallel_loop3A_392 = arith.maximumf %parallel_loop3A_359, %parallel_loop3A_102 : vector<16xf32>
        %parallel_loop3A_393 = arith.minimumf %parallel_loop3A_363, %parallel_loop3A_112 : vector<16xf32>
        %parallel_loop3A_394 = arith.minimumf %parallel_loop3A_367, %parallel_loop3A_122 : vector<16xf32>
        %parallel_loop3A_395 = arith.subf %parallel_loop3A_393, %parallel_loop3A_391 : vector<16xf32>
        %parallel_loop3A_396 = arith.constant 0.000000e+00 : f32
        %parallel_loop3A_397 = vector.broadcast %parallel_loop3A_396 : f32 to vector<16xf32>
        %parallel_loop3A_398 = arith.maximumf %parallel_loop3A_395, %parallel_loop3A_397 : vector<16xf32>
        %parallel_loop3A_399 = arith.subf %parallel_loop3A_394, %parallel_loop3A_392 : vector<16xf32>
        %parallel_loop3A_400 = arith.mulf %parallel_loop3A_398, %parallel_loop3A_399 : vector<16xf32>
        %parallel_loop3A_401 = arith.addf %parallel_loop3A_371, %parallel_loop3A_134 : vector<16xf32>
        %parallel_loop3A_402 = arith.mulf %parallel_loop3A_400, %scan3A_343 : vector<16xf32>
        %parallel_loop3A_403 = arith.mulf %scan3A_338, %parallel_loop3A_401 : vector<16xf32>
        %parallel_loop3A_404 = arith.cmpf ogt, %parallel_loop3A_402, %parallel_loop3A_403 : vector<16xf32>
        %parallel_loop3A_405 = arith.select %parallel_loop3A_404, %parallel_loop3A_400, %scan3A_338 : vector<16xi1>, vector<16xf32>
        %parallel_loop3A_406 = arith.select %parallel_loop3A_404, %parallel_loop3A_401, %scan3A_343 : vector<16xi1>, vector<16xf32>
        %parallel_loop3A_407 = arith.select %parallel_loop3A_404, %parallel_loop3A_373, %scan3A_348 : vector<16xi1>, vector<16xi32>
        %parallel_loop3A_408 = arith.maximumf %parallel_loop3A_355, %parallel_loop3A_94 : vector<16xf32>
        %parallel_loop3A_409 = arith.maximumf %parallel_loop3A_359, %parallel_loop3A_104 : vector<16xf32>
        %parallel_loop3A_410 = arith.minimumf %parallel_loop3A_363, %parallel_loop3A_114 : vector<16xf32>
        %parallel_loop3A_411 = arith.minimumf %parallel_loop3A_367, %parallel_loop3A_124 : vector<16xf32>
        %parallel_loop3A_412 = arith.subf %parallel_loop3A_410, %parallel_loop3A_408 : vector<16xf32>
        %parallel_loop3A_413 = arith.constant 0.000000e+00 : f32
        %parallel_loop3A_414 = vector.broadcast %parallel_loop3A_413 : f32 to vector<16xf32>
        %parallel_loop3A_415 = arith.maximumf %parallel_loop3A_412, %parallel_loop3A_414 : vector<16xf32>
        %parallel_loop3A_416 = arith.subf %parallel_loop3A_411, %parallel_loop3A_409 : vector<16xf32>
        %parallel_loop3A_417 = arith.mulf %parallel_loop3A_415, %parallel_loop3A_416 : vector<16xf32>
        %parallel_loop3A_418 = arith.addf %parallel_loop3A_371, %parallel_loop3A_137 : vector<16xf32>
        %parallel_loop3A_419 = arith.mulf %parallel_loop3A_417, %scan3A_344 : vector<16xf32>
        %parallel_loop3A_420 = arith.mulf %scan3A_339, %parallel_loop3A_418 : vector<16xf32>
        %parallel_loop3A_421 = arith.cmpf ogt, %parallel_loop3A_419, %parallel_loop3A_420 : vector<16xf32>
        %parallel_loop3A_422 = arith.select %parallel_loop3A_421, %parallel_loop3A_417, %scan3A_339 : vector<16xi1>, vector<16xf32>
        %parallel_loop3A_423 = arith.select %parallel_loop3A_421, %parallel_loop3A_418, %scan3A_344 : vector<16xi1>, vector<16xf32>
        %parallel_loop3A_424 = arith.select %parallel_loop3A_421, %parallel_loop3A_373, %scan3A_349 : vector<16xi1>, vector<16xi32>
        %parallel_loop3A_425 = arith.maximumf %parallel_loop3A_355, %parallel_loop3A_96 : vector<16xf32>
        %parallel_loop3A_426 = arith.maximumf %parallel_loop3A_359, %parallel_loop3A_106 : vector<16xf32>
        %parallel_loop3A_427 = arith.minimumf %parallel_loop3A_363, %parallel_loop3A_116 : vector<16xf32>
        %parallel_loop3A_428 = arith.minimumf %parallel_loop3A_367, %parallel_loop3A_126 : vector<16xf32>
        %parallel_loop3A_429 = arith.subf %parallel_loop3A_427, %parallel_loop3A_425 : vector<16xf32>
        %parallel_loop3A_430 = arith.constant 0.000000e+00 : f32
        %parallel_loop3A_431 = vector.broadcast %parallel_loop3A_430 : f32 to vector<16xf32>
        %parallel_loop3A_432 = arith.maximumf %parallel_loop3A_429, %parallel_loop3A_431 : vector<16xf32>
        %parallel_loop3A_433 = arith.subf %parallel_loop3A_428, %parallel_loop3A_426 : vector<16xf32>
        %parallel_loop3A_434 = arith.mulf %parallel_loop3A_432, %parallel_loop3A_433 : vector<16xf32>
        %parallel_loop3A_435 = arith.addf %parallel_loop3A_371, %parallel_loop3A_140 : vector<16xf32>
        %parallel_loop3A_436 = arith.mulf %parallel_loop3A_434, %scan3A_345 : vector<16xf32>
        %parallel_loop3A_437 = arith.mulf %scan3A_340, %parallel_loop3A_435 : vector<16xf32>
        %parallel_loop3A_438 = arith.cmpf ogt, %parallel_loop3A_436, %parallel_loop3A_437 : vector<16xf32>
        %parallel_loop3A_439 = arith.select %parallel_loop3A_438, %parallel_loop3A_434, %scan3A_340 : vector<16xi1>, vector<16xf32>
        %parallel_loop3A_440 = arith.select %parallel_loop3A_438, %parallel_loop3A_435, %scan3A_345 : vector<16xi1>, vector<16xf32>
        %parallel_loop3A_441 = arith.select %parallel_loop3A_438, %parallel_loop3A_373, %scan3A_350 : vector<16xi1>, vector<16xi32>
        %parallel_loop3A_442 = arith.maximumf %parallel_loop3A_355, %parallel_loop3A_98 : vector<16xf32>
        %parallel_loop3A_443 = arith.maximumf %parallel_loop3A_359, %parallel_loop3A_108 : vector<16xf32>
        %parallel_loop3A_444 = arith.minimumf %parallel_loop3A_363, %parallel_loop3A_118 : vector<16xf32>
        %parallel_loop3A_445 = arith.minimumf %parallel_loop3A_367, %parallel_loop3A_128 : vector<16xf32>
        %parallel_loop3A_446 = arith.subf %parallel_loop3A_444, %parallel_loop3A_442 : vector<16xf32>
        %parallel_loop3A_447 = arith.constant 0.000000e+00 : f32
        %parallel_loop3A_448 = vector.broadcast %parallel_loop3A_447 : f32 to vector<16xf32>
        %parallel_loop3A_449 = arith.maximumf %parallel_loop3A_446, %parallel_loop3A_448 : vector<16xf32>
        %parallel_loop3A_450 = arith.subf %parallel_loop3A_445, %parallel_loop3A_443 : vector<16xf32>
        %parallel_loop3A_451 = arith.mulf %parallel_loop3A_449, %parallel_loop3A_450 : vector<16xf32>
        %parallel_loop3A_452 = arith.addf %parallel_loop3A_371, %parallel_loop3A_143 : vector<16xf32>
        %parallel_loop3A_453 = arith.mulf %parallel_loop3A_451, %scan3A_346 : vector<16xf32>
        %parallel_loop3A_454 = arith.mulf %scan3A_341, %parallel_loop3A_452 : vector<16xf32>
        %parallel_loop3A_455 = arith.cmpf ogt, %parallel_loop3A_453, %parallel_loop3A_454 : vector<16xf32>
        %parallel_loop3A_456 = arith.select %parallel_loop3A_455, %parallel_loop3A_451, %scan3A_341 : vector<16xi1>, vector<16xf32>
        %parallel_loop3A_457 = arith.select %parallel_loop3A_455, %parallel_loop3A_452, %scan3A_346 : vector<16xi1>, vector<16xf32>
        %parallel_loop3A_458 = arith.select %parallel_loop3A_455, %parallel_loop3A_373, %scan3A_351 : vector<16xi1>, vector<16xi32>
        scf.yield %parallel_loop3A_388, %parallel_loop3A_405, %parallel_loop3A_422, %parallel_loop3A_439, %parallel_loop3A_456, %parallel_loop3A_389, %parallel_loop3A_406, %parallel_loop3A_423, %parallel_loop3A_440, %parallel_loop3A_457, %parallel_loop3A_390, %parallel_loop3A_407, %parallel_loop3A_424, %parallel_loop3A_441, %parallel_loop3A_458 : vector<16xf32>, vector<16xf32>, vector<16xf32>, vector<16xf32>, vector<16xf32>, vector<16xf32>, vector<16xf32>, vector<16xf32>, vector<16xf32>, vector<16xf32>, vector<16xi32>, vector<16xi32>, vector<16xi32>, vector<16xi32>, vector<16xi32>
      }
      %parallel_loop3A_155 = arith.constant 100 : i32
      %parallel_loop3A_156 = arith.subf %parallel_loop3A_154#5, %parallel_loop3A_154#0 : vector<16xf32>
      %parallel_loop3A_157 = arith.divf %parallel_loop3A_154#0, %parallel_loop3A_156 : vector<16xf32>
      %parallel_loop3A_158 = arith.constant 5.000000e-01 : f32
      %parallel_loop3A_159 = vector.broadcast %parallel_loop3A_158 : f32 to vector<16xf32>
      %parallel_loop3A_160 = arith.cmpf oge, %parallel_loop3A_157, %parallel_loop3A_159 : vector<16xf32>
      %parallel_loop3A_161 = tpu.vector_load_idx %arg24[%parallel_loop3A_154#10] : memref<112xi32, #tpu.memory_space<vmem>>[vector<16xi32>], vector<16xi32>,
      %parallel_loop3A_162 = arith.constant 80 : i32
      %parallel_loop3A_163 = vector.broadcast %parallel_loop3A_162 : i32 to vector<16xi32>
      %parallel_loop3A_164 = arith.select %parallel_loop3A_160, %parallel_loop3A_161, %parallel_loop3A_163 : vector<16xi1>, vector<16xi32>
      %parallel_loop3A_165 = arith.index_cast %parallel_loop3A_80 : i32 to index
      %parallel_loop3A_166 = tpu.vector_load %arg27[%parallel_loop3A_165] {strides = array<i32>} : memref<640xf32, #tpu.memory_space<vmem>>, vector<16xf32>,
      tpu.vector_store %arg27[%parallel_loop3A_165], %parallel_loop3A_157 {strides = array<i32>} : memref<640xf32, #tpu.memory_space<vmem>>, vector<16xf32>,
      %parallel_loop3A_167 = arith.index_cast %parallel_loop3A_80 : i32 to index
      %parallel_loop3A_168 = tpu.vector_load %arg28[%parallel_loop3A_167] {strides = array<i32>} : memref<640xi32, #tpu.memory_space<vmem>>, vector<16xi32>,
      tpu.vector_store %arg28[%parallel_loop3A_167], %parallel_loop3A_154#10 {strides = array<i32>} : memref<640xi32, #tpu.memory_space<vmem>>, vector<16xi32>,
      %parallel_loop3A_169 = arith.index_cast %parallel_loop3A_80 : i32 to index
      %parallel_loop3A_170 = tpu.vector_load %arg29[%parallel_loop3A_169] {strides = array<i32>} : memref<640xi32, #tpu.memory_space<vmem>>, vector<16xi32>,
      tpu.vector_store %arg29[%parallel_loop3A_169], %parallel_loop3A_164 {strides = array<i32>} : memref<640xi32, #tpu.memory_space<vmem>>, vector<16xi32>,
      %parallel_loop3A_171 = tpu.vector_load_idx %arg23[%parallel_loop3A_154#10] : memref<448xf32, #tpu.memory_space<vmem>>[vector<16xi32>], vector<16xf32>,
      %parallel_loop3A_172 = arith.index_cast %parallel_loop3A_80 : i32 to index
      %parallel_loop3A_173 = tpu.vector_load %arg30[%parallel_loop3A_172] {strides = array<i32>} : memref<640xf32, #tpu.memory_space<vmem>>, vector<16xf32>,
      tpu.vector_store %arg30[%parallel_loop3A_172], %parallel_loop3A_171 {strides = array<i32>} : memref<640xf32, #tpu.memory_space<vmem>>, vector<16xf32>,
      %parallel_loop3A_174 = arith.constant 112 : i32
      %parallel_loop3A_175 = vector.broadcast %parallel_loop3A_174 : i32 to vector<16xi32>
      %parallel_loop3A_176 = arith.addi %parallel_loop3A_154#10, %parallel_loop3A_175 : vector<16xi32>
      %parallel_loop3A_177 = tpu.vector_load_idx %arg23[%parallel_loop3A_176] : memref<448xf32, #tpu.memory_space<vmem>>[vector<16xi32>], vector<16xf32>,
      %parallel_loop3A_178 = arith.index_cast %parallel_loop3A_80 : i32 to index
      %parallel_loop3A_179 = tpu.vector_load %arg31[%parallel_loop3A_178] {strides = array<i32>} : memref<640xf32, #tpu.memory_space<vmem>>, vector<16xf32>,
      tpu.vector_store %arg31[%parallel_loop3A_178], %parallel_loop3A_177 {strides = array<i32>} : memref<640xf32, #tpu.memory_space<vmem>>, vector<16xf32>,
      %parallel_loop3A_180 = arith.constant 224 : i32
      %parallel_loop3A_181 = vector.broadcast %parallel_loop3A_180 : i32 to vector<16xi32>
      %parallel_loop3A_182 = arith.addi %parallel_loop3A_154#10, %parallel_loop3A_181 : vector<16xi32>
      %parallel_loop3A_183 = tpu.vector_load_idx %arg23[%parallel_loop3A_182] : memref<448xf32, #tpu.memory_space<vmem>>[vector<16xi32>], vector<16xf32>,
      %parallel_loop3A_184 = arith.index_cast %parallel_loop3A_80 : i32 to index
      %parallel_loop3A_185 = tpu.vector_load %arg32[%parallel_loop3A_184] {strides = array<i32>} : memref<640xf32, #tpu.memory_space<vmem>>, vector<16xf32>,
      tpu.vector_store %arg32[%parallel_loop3A_184], %parallel_loop3A_183 {strides = array<i32>} : memref<640xf32, #tpu.memory_space<vmem>>, vector<16xf32>,
      %parallel_loop3A_186 = arith.constant 336 : i32
      %parallel_loop3A_187 = vector.broadcast %parallel_loop3A_186 : i32 to vector<16xi32>
      %parallel_loop3A_188 = arith.addi %parallel_loop3A_154#10, %parallel_loop3A_187 : vector<16xi32>
      %parallel_loop3A_189 = tpu.vector_load_idx %arg23[%parallel_loop3A_188] : memref<448xf32, #tpu.memory_space<vmem>>[vector<16xi32>], vector<16xf32>,
      %parallel_loop3A_190 = arith.index_cast %parallel_loop3A_80 : i32 to index
      %parallel_loop3A_191 = tpu.vector_load %arg33[%parallel_loop3A_190] {strides = array<i32>} : memref<640xf32, #tpu.memory_space<vmem>>, vector<16xf32>,
      tpu.vector_store %arg33[%parallel_loop3A_190], %parallel_loop3A_189 {strides = array<i32>} : memref<640xf32, #tpu.memory_space<vmem>>, vector<16xf32>,
      %parallel_loop3A_192 = arith.subf %parallel_loop3A_154#6, %parallel_loop3A_154#1 : vector<16xf32>
      %parallel_loop3A_193 = arith.divf %parallel_loop3A_154#1, %parallel_loop3A_192 : vector<16xf32>
      %parallel_loop3A_194 = arith.constant 5.000000e-01 : f32
      %parallel_loop3A_195 = vector.broadcast %parallel_loop3A_194 : f32 to vector<16xf32>
      %parallel_loop3A_196 = arith.cmpf oge, %parallel_loop3A_193, %parallel_loop3A_195 : vector<16xf32>
      %parallel_loop3A_197 = tpu.vector_load_idx %arg24[%parallel_loop3A_154#11] : memref<112xi32, #tpu.memory_space<vmem>>[vector<16xi32>], vector<16xi32>,
      %parallel_loop3A_198 = arith.constant 80 : i32
      %parallel_loop3A_199 = vector.broadcast %parallel_loop3A_198 : i32 to vector<16xi32>
      %parallel_loop3A_200 = arith.select %parallel_loop3A_196, %parallel_loop3A_197, %parallel_loop3A_199 : vector<16xi1>, vector<16xi32>
      %parallel_loop3A_201 = arith.index_cast %parallel_loop3A_82 : i32 to index
      %parallel_loop3A_202 = tpu.vector_load %arg27[%parallel_loop3A_201] {strides = array<i32>} : memref<640xf32, #tpu.memory_space<vmem>>, vector<16xf32>,
      tpu.vector_store %arg27[%parallel_loop3A_201], %parallel_loop3A_193 {strides = array<i32>} : memref<640xf32, #tpu.memory_space<vmem>>, vector<16xf32>,
      %parallel_loop3A_203 = arith.index_cast %parallel_loop3A_82 : i32 to index
      %parallel_loop3A_204 = tpu.vector_load %arg28[%parallel_loop3A_203] {strides = array<i32>} : memref<640xi32, #tpu.memory_space<vmem>>, vector<16xi32>,
      tpu.vector_store %arg28[%parallel_loop3A_203], %parallel_loop3A_154#11 {strides = array<i32>} : memref<640xi32, #tpu.memory_space<vmem>>, vector<16xi32>,
      %parallel_loop3A_205 = arith.index_cast %parallel_loop3A_82 : i32 to index
      %parallel_loop3A_206 = tpu.vector_load %arg29[%parallel_loop3A_205] {strides = array<i32>} : memref<640xi32, #tpu.memory_space<vmem>>, vector<16xi32>,
      tpu.vector_store %arg29[%parallel_loop3A_205], %parallel_loop3A_200 {strides = array<i32>} : memref<640xi32, #tpu.memory_space<vmem>>, vector<16xi32>,
      %parallel_loop3A_207 = tpu.vector_load_idx %arg23[%parallel_loop3A_154#11] : memref<448xf32, #tpu.memory_space<vmem>>[vector<16xi32>], vector<16xf32>,
      %parallel_loop3A_208 = arith.index_cast %parallel_loop3A_82 : i32 to index
      %parallel_loop3A_209 = tpu.vector_load %arg30[%parallel_loop3A_208] {strides = array<i32>} : memref<640xf32, #tpu.memory_space<vmem>>, vector<16xf32>,
      tpu.vector_store %arg30[%parallel_loop3A_208], %parallel_loop3A_207 {strides = array<i32>} : memref<640xf32, #tpu.memory_space<vmem>>, vector<16xf32>,
      %parallel_loop3A_210 = arith.constant 112 : i32
      %parallel_loop3A_211 = vector.broadcast %parallel_loop3A_210 : i32 to vector<16xi32>
      %parallel_loop3A_212 = arith.addi %parallel_loop3A_154#11, %parallel_loop3A_211 : vector<16xi32>
      %parallel_loop3A_213 = tpu.vector_load_idx %arg23[%parallel_loop3A_212] : memref<448xf32, #tpu.memory_space<vmem>>[vector<16xi32>], vector<16xf32>,
      %parallel_loop3A_214 = arith.index_cast %parallel_loop3A_82 : i32 to index
      %parallel_loop3A_215 = tpu.vector_load %arg31[%parallel_loop3A_214] {strides = array<i32>} : memref<640xf32, #tpu.memory_space<vmem>>, vector<16xf32>,
      tpu.vector_store %arg31[%parallel_loop3A_214], %parallel_loop3A_213 {strides = array<i32>} : memref<640xf32, #tpu.memory_space<vmem>>, vector<16xf32>,
      %parallel_loop3A_216 = arith.constant 224 : i32
      %parallel_loop3A_217 = vector.broadcast %parallel_loop3A_216 : i32 to vector<16xi32>
      %parallel_loop3A_218 = arith.addi %parallel_loop3A_154#11, %parallel_loop3A_217 : vector<16xi32>
      %parallel_loop3A_219 = tpu.vector_load_idx %arg23[%parallel_loop3A_218] : memref<448xf32, #tpu.memory_space<vmem>>[vector<16xi32>], vector<16xf32>,
      %parallel_loop3A_220 = arith.index_cast %parallel_loop3A_82 : i32 to index
      %parallel_loop3A_221 = tpu.vector_load %arg32[%parallel_loop3A_220] {strides = array<i32>} : memref<640xf32, #tpu.memory_space<vmem>>, vector<16xf32>,
      tpu.vector_store %arg32[%parallel_loop3A_220], %parallel_loop3A_219 {strides = array<i32>} : memref<640xf32, #tpu.memory_space<vmem>>, vector<16xf32>,
      %parallel_loop3A_222 = arith.constant 336 : i32
      %parallel_loop3A_223 = vector.broadcast %parallel_loop3A_222 : i32 to vector<16xi32>
      %parallel_loop3A_224 = arith.addi %parallel_loop3A_154#11, %parallel_loop3A_223 : vector<16xi32>
      %parallel_loop3A_225 = tpu.vector_load_idx %arg23[%parallel_loop3A_224] : memref<448xf32, #tpu.memory_space<vmem>>[vector<16xi32>], vector<16xf32>,
      %parallel_loop3A_226 = arith.index_cast %parallel_loop3A_82 : i32 to index
      %parallel_loop3A_227 = tpu.vector_load %arg33[%parallel_loop3A_226] {strides = array<i32>} : memref<640xf32, #tpu.memory_space<vmem>>, vector<16xf32>,
      tpu.vector_store %arg33[%parallel_loop3A_226], %parallel_loop3A_225 {strides = array<i32>} : memref<640xf32, #tpu.memory_space<vmem>>, vector<16xf32>,
      %parallel_loop3A_228 = arith.subf %parallel_loop3A_154#7, %parallel_loop3A_154#2 : vector<16xf32>
      %parallel_loop3A_229 = arith.divf %parallel_loop3A_154#2, %parallel_loop3A_228 : vector<16xf32>
      %parallel_loop3A_230 = arith.constant 5.000000e-01 : f32
      %parallel_loop3A_231 = vector.broadcast %parallel_loop3A_230 : f32 to vector<16xf32>
      %parallel_loop3A_232 = arith.cmpf oge, %parallel_loop3A_229, %parallel_loop3A_231 : vector<16xf32>
      %parallel_loop3A_233 = tpu.vector_load_idx %arg24[%parallel_loop3A_154#12] : memref<112xi32, #tpu.memory_space<vmem>>[vector<16xi32>], vector<16xi32>,
      %parallel_loop3A_234 = arith.constant 80 : i32
      %parallel_loop3A_235 = vector.broadcast %parallel_loop3A_234 : i32 to vector<16xi32>
      %parallel_loop3A_236 = arith.select %parallel_loop3A_232, %parallel_loop3A_233, %parallel_loop3A_235 : vector<16xi1>, vector<16xi32>
      %parallel_loop3A_237 = arith.index_cast %parallel_loop3A_84 : i32 to index
      %parallel_loop3A_238 = tpu.vector_load %arg27[%parallel_loop3A_237] {strides = array<i32>} : memref<640xf32, #tpu.memory_space<vmem>>, vector<16xf32>,
      tpu.vector_store %arg27[%parallel_loop3A_237], %parallel_loop3A_229 {strides = array<i32>} : memref<640xf32, #tpu.memory_space<vmem>>, vector<16xf32>,
      %parallel_loop3A_239 = arith.index_cast %parallel_loop3A_84 : i32 to index
      %parallel_loop3A_240 = tpu.vector_load %arg28[%parallel_loop3A_239] {strides = array<i32>} : memref<640xi32, #tpu.memory_space<vmem>>, vector<16xi32>,
      tpu.vector_store %arg28[%parallel_loop3A_239], %parallel_loop3A_154#12 {strides = array<i32>} : memref<640xi32, #tpu.memory_space<vmem>>, vector<16xi32>,
      %parallel_loop3A_241 = arith.index_cast %parallel_loop3A_84 : i32 to index
      %parallel_loop3A_242 = tpu.vector_load %arg29[%parallel_loop3A_241] {strides = array<i32>} : memref<640xi32, #tpu.memory_space<vmem>>, vector<16xi32>,
      tpu.vector_store %arg29[%parallel_loop3A_241], %parallel_loop3A_236 {strides = array<i32>} : memref<640xi32, #tpu.memory_space<vmem>>, vector<16xi32>,
      %parallel_loop3A_243 = tpu.vector_load_idx %arg23[%parallel_loop3A_154#12] : memref<448xf32, #tpu.memory_space<vmem>>[vector<16xi32>], vector<16xf32>,
      %parallel_loop3A_244 = arith.index_cast %parallel_loop3A_84 : i32 to index
      %parallel_loop3A_245 = tpu.vector_load %arg30[%parallel_loop3A_244] {strides = array<i32>} : memref<640xf32, #tpu.memory_space<vmem>>, vector<16xf32>,
      tpu.vector_store %arg30[%parallel_loop3A_244], %parallel_loop3A_243 {strides = array<i32>} : memref<640xf32, #tpu.memory_space<vmem>>, vector<16xf32>,
      %parallel_loop3A_246 = arith.constant 112 : i32
      %parallel_loop3A_247 = vector.broadcast %parallel_loop3A_246 : i32 to vector<16xi32>
      %parallel_loop3A_248 = arith.addi %parallel_loop3A_154#12, %parallel_loop3A_247 : vector<16xi32>
      %parallel_loop3A_249 = tpu.vector_load_idx %arg23[%parallel_loop3A_248] : memref<448xf32, #tpu.memory_space<vmem>>[vector<16xi32>], vector<16xf32>,
      %parallel_loop3A_250 = arith.index_cast %parallel_loop3A_84 : i32 to index
      %parallel_loop3A_251 = tpu.vector_load %arg31[%parallel_loop3A_250] {strides = array<i32>} : memref<640xf32, #tpu.memory_space<vmem>>, vector<16xf32>,
      tpu.vector_store %arg31[%parallel_loop3A_250], %parallel_loop3A_249 {strides = array<i32>} : memref<640xf32, #tpu.memory_space<vmem>>, vector<16xf32>,
      %parallel_loop3A_252 = arith.constant 224 : i32
      %parallel_loop3A_253 = vector.broadcast %parallel_loop3A_252 : i32 to vector<16xi32>
      %parallel_loop3A_254 = arith.addi %parallel_loop3A_154#12, %parallel_loop3A_253 : vector<16xi32>
      %parallel_loop3A_255 = tpu.vector_load_idx %arg23[%parallel_loop3A_254] : memref<448xf32, #tpu.memory_space<vmem>>[vector<16xi32>], vector<16xf32>,
      %parallel_loop3A_256 = arith.index_cast %parallel_loop3A_84 : i32 to index
      %parallel_loop3A_257 = tpu.vector_load %arg32[%parallel_loop3A_256] {strides = array<i32>} : memref<640xf32, #tpu.memory_space<vmem>>, vector<16xf32>,
      tpu.vector_store %arg32[%parallel_loop3A_256], %parallel_loop3A_255 {strides = array<i32>} : memref<640xf32, #tpu.memory_space<vmem>>, vector<16xf32>,
      %parallel_loop3A_258 = arith.constant 336 : i32
      %parallel_loop3A_259 = vector.broadcast %parallel_loop3A_258 : i32 to vector<16xi32>
      %parallel_loop3A_260 = arith.addi %parallel_loop3A_154#12, %parallel_loop3A_259 : vector<16xi32>
      %parallel_loop3A_261 = tpu.vector_load_idx %arg23[%parallel_loop3A_260] : memref<448xf32, #tpu.memory_space<vmem>>[vector<16xi32>], vector<16xf32>,
      %parallel_loop3A_262 = arith.index_cast %parallel_loop3A_84 : i32 to index
      %parallel_loop3A_263 = tpu.vector_load %arg33[%parallel_loop3A_262] {strides = array<i32>} : memref<640xf32, #tpu.memory_space<vmem>>, vector<16xf32>,
      tpu.vector_store %arg33[%parallel_loop3A_262], %parallel_loop3A_261 {strides = array<i32>} : memref<640xf32, #tpu.memory_space<vmem>>, vector<16xf32>,
      %parallel_loop3A_264 = arith.subf %parallel_loop3A_154#8, %parallel_loop3A_154#3 : vector<16xf32>
      %parallel_loop3A_265 = arith.divf %parallel_loop3A_154#3, %parallel_loop3A_264 : vector<16xf32>
      %parallel_loop3A_266 = arith.constant 5.000000e-01 : f32
      %parallel_loop3A_267 = vector.broadcast %parallel_loop3A_266 : f32 to vector<16xf32>
      %parallel_loop3A_268 = arith.cmpf oge, %parallel_loop3A_265, %parallel_loop3A_267 : vector<16xf32>
      %parallel_loop3A_269 = tpu.vector_load_idx %arg24[%parallel_loop3A_154#13] : memref<112xi32, #tpu.memory_space<vmem>>[vector<16xi32>], vector<16xi32>,
      %parallel_loop3A_270 = arith.constant 80 : i32
      %parallel_loop3A_271 = vector.broadcast %parallel_loop3A_270 : i32 to vector<16xi32>
      %parallel_loop3A_272 = arith.select %parallel_loop3A_268, %parallel_loop3A_269, %parallel_loop3A_271 : vector<16xi1>, vector<16xi32>
      %parallel_loop3A_273 = arith.index_cast %parallel_loop3A_86 : i32 to index
      %parallel_loop3A_274 = tpu.vector_load %arg27[%parallel_loop3A_273] {strides = array<i32>} : memref<640xf32, #tpu.memory_space<vmem>>, vector<16xf32>,
      tpu.vector_store %arg27[%parallel_loop3A_273], %parallel_loop3A_265 {strides = array<i32>} : memref<640xf32, #tpu.memory_space<vmem>>, vector<16xf32>,
      %parallel_loop3A_275 = arith.index_cast %parallel_loop3A_86 : i32 to index
      %parallel_loop3A_276 = tpu.vector_load %arg28[%parallel_loop3A_275] {strides = array<i32>} : memref<640xi32, #tpu.memory_space<vmem>>, vector<16xi32>,
      tpu.vector_store %arg28[%parallel_loop3A_275], %parallel_loop3A_154#13 {strides = array<i32>} : memref<640xi32, #tpu.memory_space<vmem>>, vector<16xi32>,
      %parallel_loop3A_277 = arith.index_cast %parallel_loop3A_86 : i32 to index
      %parallel_loop3A_278 = tpu.vector_load %arg29[%parallel_loop3A_277] {strides = array<i32>} : memref<640xi32, #tpu.memory_space<vmem>>, vector<16xi32>,
      tpu.vector_store %arg29[%parallel_loop3A_277], %parallel_loop3A_272 {strides = array<i32>} : memref<640xi32, #tpu.memory_space<vmem>>, vector<16xi32>,
      %parallel_loop3A_279 = tpu.vector_load_idx %arg23[%parallel_loop3A_154#13] : memref<448xf32, #tpu.memory_space<vmem>>[vector<16xi32>], vector<16xf32>,
      %parallel_loop3A_280 = arith.index_cast %parallel_loop3A_86 : i32 to index
      %parallel_loop3A_281 = tpu.vector_load %arg30[%parallel_loop3A_280] {strides = array<i32>} : memref<640xf32, #tpu.memory_space<vmem>>, vector<16xf32>,
      tpu.vector_store %arg30[%parallel_loop3A_280], %parallel_loop3A_279 {strides = array<i32>} : memref<640xf32, #tpu.memory_space<vmem>>, vector<16xf32>,
      %parallel_loop3A_282 = arith.constant 112 : i32
      %parallel_loop3A_283 = vector.broadcast %parallel_loop3A_282 : i32 to vector<16xi32>
      %parallel_loop3A_284 = arith.addi %parallel_loop3A_154#13, %parallel_loop3A_283 : vector<16xi32>
      %parallel_loop3A_285 = tpu.vector_load_idx %arg23[%parallel_loop3A_284] : memref<448xf32, #tpu.memory_space<vmem>>[vector<16xi32>], vector<16xf32>,
      %parallel_loop3A_286 = arith.index_cast %parallel_loop3A_86 : i32 to index
      %parallel_loop3A_287 = tpu.vector_load %arg31[%parallel_loop3A_286] {strides = array<i32>} : memref<640xf32, #tpu.memory_space<vmem>>, vector<16xf32>,
      tpu.vector_store %arg31[%parallel_loop3A_286], %parallel_loop3A_285 {strides = array<i32>} : memref<640xf32, #tpu.memory_space<vmem>>, vector<16xf32>,
      %parallel_loop3A_288 = arith.constant 224 : i32
      %parallel_loop3A_289 = vector.broadcast %parallel_loop3A_288 : i32 to vector<16xi32>
      %parallel_loop3A_290 = arith.addi %parallel_loop3A_154#13, %parallel_loop3A_289 : vector<16xi32>
      %parallel_loop3A_291 = tpu.vector_load_idx %arg23[%parallel_loop3A_290] : memref<448xf32, #tpu.memory_space<vmem>>[vector<16xi32>], vector<16xf32>,
      %parallel_loop3A_292 = arith.index_cast %parallel_loop3A_86 : i32 to index
      %parallel_loop3A_293 = tpu.vector_load %arg32[%parallel_loop3A_292] {strides = array<i32>} : memref<640xf32, #tpu.memory_space<vmem>>, vector<16xf32>,
      tpu.vector_store %arg32[%parallel_loop3A_292], %parallel_loop3A_291 {strides = array<i32>} : memref<640xf32, #tpu.memory_space<vmem>>, vector<16xf32>,
      %parallel_loop3A_294 = arith.constant 336 : i32
      %parallel_loop3A_295 = vector.broadcast %parallel_loop3A_294 : i32 to vector<16xi32>
      %parallel_loop3A_296 = arith.addi %parallel_loop3A_154#13, %parallel_loop3A_295 : vector<16xi32>
      %parallel_loop3A_297 = tpu.vector_load_idx %arg23[%parallel_loop3A_296] : memref<448xf32, #tpu.memory_space<vmem>>[vector<16xi32>], vector<16xf32>,
      %parallel_loop3A_298 = arith.index_cast %parallel_loop3A_86 : i32 to index
      %parallel_loop3A_299 = tpu.vector_load %arg33[%parallel_loop3A_298] {strides = array<i32>} : memref<640xf32, #tpu.memory_space<vmem>>, vector<16xf32>,
      tpu.vector_store %arg33[%parallel_loop3A_298], %parallel_loop3A_297 {strides = array<i32>} : memref<640xf32, #tpu.memory_space<vmem>>, vector<16xf32>,
      %parallel_loop3A_300 = arith.subf %parallel_loop3A_154#9, %parallel_loop3A_154#4 : vector<16xf32>
      %parallel_loop3A_301 = arith.divf %parallel_loop3A_154#4, %parallel_loop3A_300 : vector<16xf32>
      %parallel_loop3A_302 = arith.constant 5.000000e-01 : f32
      %parallel_loop3A_303 = vector.broadcast %parallel_loop3A_302 : f32 to vector<16xf32>
      %parallel_loop3A_304 = arith.cmpf oge, %parallel_loop3A_301, %parallel_loop3A_303 : vector<16xf32>
      %parallel_loop3A_305 = tpu.vector_load_idx %arg24[%parallel_loop3A_154#14] : memref<112xi32, #tpu.memory_space<vmem>>[vector<16xi32>], vector<16xi32>,
      %parallel_loop3A_306 = arith.constant 80 : i32
      %parallel_loop3A_307 = vector.broadcast %parallel_loop3A_306 : i32 to vector<16xi32>
      %parallel_loop3A_308 = arith.select %parallel_loop3A_304, %parallel_loop3A_305, %parallel_loop3A_307 : vector<16xi1>, vector<16xi32>
      %parallel_loop3A_309 = arith.index_cast %parallel_loop3A_88 : i32 to index
      %parallel_loop3A_310 = tpu.vector_load %arg27[%parallel_loop3A_309] {strides = array<i32>} : memref<640xf32, #tpu.memory_space<vmem>>, vector<16xf32>,
      tpu.vector_store %arg27[%parallel_loop3A_309], %parallel_loop3A_301 {strides = array<i32>} : memref<640xf32, #tpu.memory_space<vmem>>, vector<16xf32>,
      %parallel_loop3A_311 = arith.index_cast %parallel_loop3A_88 : i32 to index
      %parallel_loop3A_312 = tpu.vector_load %arg28[%parallel_loop3A_311] {strides = array<i32>} : memref<640xi32, #tpu.memory_space<vmem>>, vector<16xi32>,
      tpu.vector_store %arg28[%parallel_loop3A_311], %parallel_loop3A_154#14 {strides = array<i32>} : memref<640xi32, #tpu.memory_space<vmem>>, vector<16xi32>,
      %parallel_loop3A_313 = arith.index_cast %parallel_loop3A_88 : i32 to index
      %parallel_loop3A_314 = tpu.vector_load %arg29[%parallel_loop3A_313] {strides = array<i32>} : memref<640xi32, #tpu.memory_space<vmem>>, vector<16xi32>,
      tpu.vector_store %arg29[%parallel_loop3A_313], %parallel_loop3A_308 {strides = array<i32>} : memref<640xi32, #tpu.memory_space<vmem>>, vector<16xi32>,
      %parallel_loop3A_315 = tpu.vector_load_idx %arg23[%parallel_loop3A_154#14] : memref<448xf32, #tpu.memory_space<vmem>>[vector<16xi32>], vector<16xf32>,
      %parallel_loop3A_316 = arith.index_cast %parallel_loop3A_88 : i32 to index
      %parallel_loop3A_317 = tpu.vector_load %arg30[%parallel_loop3A_316] {strides = array<i32>} : memref<640xf32, #tpu.memory_space<vmem>>, vector<16xf32>,
      tpu.vector_store %arg30[%parallel_loop3A_316], %parallel_loop3A_315 {strides = array<i32>} : memref<640xf32, #tpu.memory_space<vmem>>, vector<16xf32>,
      %parallel_loop3A_318 = arith.constant 112 : i32
      %parallel_loop3A_319 = vector.broadcast %parallel_loop3A_318 : i32 to vector<16xi32>
      %parallel_loop3A_320 = arith.addi %parallel_loop3A_154#14, %parallel_loop3A_319 : vector<16xi32>
      %parallel_loop3A_321 = tpu.vector_load_idx %arg23[%parallel_loop3A_320] : memref<448xf32, #tpu.memory_space<vmem>>[vector<16xi32>], vector<16xf32>,
      %parallel_loop3A_322 = arith.index_cast %parallel_loop3A_88 : i32 to index
      %parallel_loop3A_323 = tpu.vector_load %arg31[%parallel_loop3A_322] {strides = array<i32>} : memref<640xf32, #tpu.memory_space<vmem>>, vector<16xf32>,
      tpu.vector_store %arg31[%parallel_loop3A_322], %parallel_loop3A_321 {strides = array<i32>} : memref<640xf32, #tpu.memory_space<vmem>>, vector<16xf32>,
      %parallel_loop3A_324 = arith.constant 224 : i32
      %parallel_loop3A_325 = vector.broadcast %parallel_loop3A_324 : i32 to vector<16xi32>
      %parallel_loop3A_326 = arith.addi %parallel_loop3A_154#14, %parallel_loop3A_325 : vector<16xi32>
      %parallel_loop3A_327 = tpu.vector_load_idx %arg23[%parallel_loop3A_326] : memref<448xf32, #tpu.memory_space<vmem>>[vector<16xi32>], vector<16xf32>,
      %parallel_loop3A_328 = arith.index_cast %parallel_loop3A_88 : i32 to index
      %parallel_loop3A_329 = tpu.vector_load %arg32[%parallel_loop3A_328] {strides = array<i32>} : memref<640xf32, #tpu.memory_space<vmem>>, vector<16xf32>,
      tpu.vector_store %arg32[%parallel_loop3A_328], %parallel_loop3A_327 {strides = array<i32>} : memref<640xf32, #tpu.memory_space<vmem>>, vector<16xf32>,
      %parallel_loop3A_330 = arith.constant 336 : i32
      %parallel_loop3A_331 = vector.broadcast %parallel_loop3A_330 : i32 to vector<16xi32>
      %parallel_loop3A_332 = arith.addi %parallel_loop3A_154#14, %parallel_loop3A_331 : vector<16xi32>
      %parallel_loop3A_333 = tpu.vector_load_idx %arg23[%parallel_loop3A_332] : memref<448xf32, #tpu.memory_space<vmem>>[vector<16xi32>], vector<16xf32>,
      %parallel_loop3A_334 = arith.index_cast %parallel_loop3A_88 : i32 to index
      %parallel_loop3A_335 = tpu.vector_load %arg33[%parallel_loop3A_334] {strides = array<i32>} : memref<640xf32, #tpu.memory_space<vmem>>, vector<16xf32>,
      tpu.vector_store %arg33[%parallel_loop3A_334], %parallel_loop3A_333 {strides = array<i32>} : memref<640xf32, #tpu.memory_space<vmem>>, vector<16xf32>,
    } {sc.loop_unroll_factor = 1 : i64, sc.parallel_access}
    %eq3A_63 = arith.constant 0 : i32
    %eq3A_64 = arith.cmpi eq, %add3A, %eq3A_63 : i32
    %convert_element_type3A_65 = arith.extui %eq3A_64 : i1 to i32
    %cond3A_66 = arith.constant 0 : i32
    %cond3A_67 = arith.cmpi ne, %convert_element_type3A_65, %cond3A_66 : i32
    scf.if %cond3A_67 {
      %broadcast_in_dim3A = arith.constant 0.000000e+00 : f32
      %broadcast_in_dim3A_76 = vector.broadcast %broadcast_in_dim3A : f32 to vector<16xf32>
      %swap3A = arith.constant 0 : index
      %swap3A_77 = tpu.vector_load %arg34[%swap3A] {strides = array<i32>} : memref<96xf32, #tpu.memory_space<vmem>>, vector<16xf32>,
      tpu.vector_store %arg34[%swap3A], %broadcast_in_dim3A_76 {strides = array<i32>} : memref<96xf32, #tpu.memory_space<vmem>>, vector<16xf32>,
      %swap3A_78 = arith.constant 16 : index
      %swap3A_79 = tpu.vector_load %arg34[%swap3A_78] {strides = array<i32>} : memref<96xf32, #tpu.memory_space<vmem>>, vector<16xf32>,
      tpu.vector_store %arg34[%swap3A_78], %broadcast_in_dim3A_76 {strides = array<i32>} : memref<96xf32, #tpu.memory_space<vmem>>, vector<16xf32>,
      %swap3A_80 = arith.constant 32 : index
      %swap3A_81 = tpu.vector_load %arg34[%swap3A_80] {strides = array<i32>} : memref<96xf32, #tpu.memory_space<vmem>>, vector<16xf32>,
      tpu.vector_store %arg34[%swap3A_80], %broadcast_in_dim3A_76 {strides = array<i32>} : memref<96xf32, #tpu.memory_space<vmem>>, vector<16xf32>,
      %swap3A_82 = arith.constant 48 : index
      %swap3A_83 = tpu.vector_load %arg34[%swap3A_82] {strides = array<i32>} : memref<96xf32, #tpu.memory_space<vmem>>, vector<16xf32>,
      tpu.vector_store %arg34[%swap3A_82], %broadcast_in_dim3A_76 {strides = array<i32>} : memref<96xf32, #tpu.memory_space<vmem>>, vector<16xf32>,
      %swap3A_84 = arith.constant 64 : index
      %swap3A_85 = tpu.vector_load %arg34[%swap3A_84] {strides = array<i32>} : memref<96xf32, #tpu.memory_space<vmem>>, vector<16xf32>,
      tpu.vector_store %arg34[%swap3A_84], %broadcast_in_dim3A_76 {strides = array<i32>} : memref<96xf32, #tpu.memory_space<vmem>>, vector<16xf32>,
      %swap3A_86 = arith.constant 80 : index
      %swap3A_87 = tpu.vector_load %arg34[%swap3A_86] {strides = array<i32>} : memref<96xf32, #tpu.memory_space<vmem>>, vector<16xf32>,
      tpu.vector_store %arg34[%swap3A_86], %broadcast_in_dim3A_76 {strides = array<i32>} : memref<96xf32, #tpu.memory_space<vmem>>, vector<16xf32>,
      %eq3A_88 = arith.constant 0 : i32
      %eq3A_89 = vector.broadcast %eq3A_88 : i32 to vector<16xi32>
      %eq3A_90 = arith.cmpi eq, %iota3A, %eq3A_89 : vector<16xi32>
      %jit3A = arith.constant 1.000000e+00 : f32
      %jit3A_91 = arith.constant 0.000000e+00 : f32
      %broadcast_in_dim3A_92 = vector.broadcast %jit3A : f32 to vector<16xf32>
      %broadcast_in_dim3A_93 = vector.broadcast %jit3A_91 : f32 to vector<16xf32>
      %select_n3A = arith.select %eq3A_90, %broadcast_in_dim3A_92, %broadcast_in_dim3A_93 : vector<16xi1>, vector<16xf32>
      %swap3A_94 = arith.constant 80 : index
      %swap3A_95 = tpu.vector_load %arg34[%swap3A_94] {strides = array<i32>} : memref<96xf32, #tpu.memory_space<vmem>>, vector<16xf32>,
      tpu.vector_store %arg34[%swap3A_94], %select_n3A {strides = array<i32>} : memref<96xf32, #tpu.memory_space<vmem>>, vector<16xf32>,
      %broadcast_in_dim3A_96 = arith.constant 1.000000e+00 : f32
      %broadcast_in_dim3A_97 = vector.broadcast %broadcast_in_dim3A_96 : f32 to vector<16xf32>
      %get3A = arith.constant 0 : index
      %get3A_98 = tpu.vector_load %arg24[%get3A] {strides = array<i32>} : memref<112xi32, #tpu.memory_space<vmem>>, vector<16xi32>,
      tpu.vector_store_idx %arg34[%get3A_98], %broadcast_in_dim3A_97 : memref<96xf32, #tpu.memory_space<vmem>>[vector<16xi32>], vector<16xf32>,
      %get3A_99 = arith.constant 16 : index
      %get3A_100 = tpu.vector_load %arg24[%get3A_99] {strides = array<i32>} : memref<112xi32, #tpu.memory_space<vmem>>, vector<16xi32>,
      tpu.vector_store_idx %arg34[%get3A_100], %broadcast_in_dim3A_97 : memref<96xf32, #tpu.memory_space<vmem>>[vector<16xi32>], vector<16xf32>,
      %get3A_101 = arith.constant 32 : index
      %get3A_102 = tpu.vector_load %arg24[%get3A_101] {strides = array<i32>} : memref<112xi32, #tpu.memory_space<vmem>>, vector<16xi32>,
      tpu.vector_store_idx %arg34[%get3A_102], %broadcast_in_dim3A_97 : memref<96xf32, #tpu.memory_space<vmem>>[vector<16xi32>], vector<16xf32>,
      %get3A_103 = arith.constant 48 : index
      %get3A_104 = tpu.vector_load %arg24[%get3A_103] {strides = array<i32>} : memref<112xi32, #tpu.memory_space<vmem>>, vector<16xi32>,
      tpu.vector_store_idx %arg34[%get3A_104], %broadcast_in_dim3A_97 : memref<96xf32, #tpu.memory_space<vmem>>[vector<16xi32>], vector<16xf32>,
      %get3A_105 = arith.constant 64 : index
      %get3A_106 = tpu.vector_load %arg24[%get3A_105] {strides = array<i32>} : memref<112xi32, #tpu.memory_space<vmem>>, vector<16xi32>,
      tpu.vector_store_idx %arg34[%get3A_106], %broadcast_in_dim3A_97 : memref<96xf32, #tpu.memory_space<vmem>>[vector<16xi32>], vector<16xf32>,
      %get3A_107 = arith.constant 80 : index
      %get3A_108 = tpu.vector_load %arg24[%get3A_107] {strides = array<i32>} : memref<112xi32, #tpu.memory_space<vmem>>, vector<16xi32>,
      tpu.vector_store_idx %arg34[%get3A_108], %broadcast_in_dim3A_97 : memref<96xf32, #tpu.memory_space<vmem>>[vector<16xi32>], vector<16xf32>,
      %get3A_109 = arith.constant 96 : index
      %get3A_110 = tpu.vector_load %arg24[%get3A_109] {strides = array<i32>} : memref<112xi32, #tpu.memory_space<vmem>>, vector<16xi32>,
      %add3A_111 = arith.constant 96 : i32
      %add3A_112 = vector.broadcast %add3A_111 : i32 to vector<16xi32>
      %add3A_113 = arith.addi %iota3A, %add3A_112 : vector<16xi32>
      %lt3A = arith.constant 100 : i32
      %lt3A_114 = vector.broadcast %lt3A : i32 to vector<16xi32>
      %lt3A_115 = arith.cmpi slt, %add3A_113, %lt3A_114 : vector<16xi32>
      tpu.vector_store_idx %arg34[%get3A_110], %broadcast_in_dim3A_97 masked %lt3A_115 : memref<96xf32, #tpu.memory_space<vmem>>[vector<16xi32>], vector<16xf32>, vector<16xi1>
      "tpu.region"() ({
        %run_scoped3A = tpu.sem_alloc : memref<!tpu.dma_semaphore, #tpu.memory_space<semaphore_mem>>
        %dma_start3A_116 = arith.constant 0 : i32
        %dma_start3A_117 = tpu.memref_slice %arg34[%dma_start3A_116] : memref<96xf32, #tpu.memory_space<vmem>> -> memref<81xf32, #tpu.memory_space<vmem>>
        %dma_start3A_118 = arith.constant 0 : i32
        %dma_start3A_119 = tpu.memref_slice %arg34[%dma_start3A_118] : memref<96xf32, #tpu.memory_space<vmem>> -> memref<81xf32, #tpu.memory_space<vmem>>
        tpu.enqueue_dma source(%dma_start3A_119 : memref<81xf32, #tpu.memory_space<vmem>>) target(%arg18 : memref<81xf32, #tpu.memory_space<hbm>>) target_semaphore(%run_scoped3A : memref<!tpu.dma_semaphore, #tpu.memory_space<semaphore_mem>>)
        %dma_wait3A_120 = arith.constant 0 : i32
        %dma_wait3A_121 = tpu.memref_slice %arg34[%dma_wait3A_120] : memref<96xf32, #tpu.memory_space<vmem>> -> memref<81xf32, #tpu.memory_space<vmem>>
        %dma_wait3A_122 = arith.constant 0 : i32
        %dma_wait3A_123 = tpu.memref_slice %arg34[%dma_wait3A_122] : memref<96xf32, #tpu.memory_space<vmem>> -> memref<81xf32, #tpu.memory_space<vmem>>
        tpu.wait_dma2 semaphore(%run_scoped3A : memref<!tpu.dma_semaphore, #tpu.memory_space<semaphore_mem>>) src(%dma_wait3A_123 : memref<81xf32, #tpu.memory_space<vmem>>) dst(%arg18 : memref<81xf32, #tpu.memory_space<hbm>>)
        tpu.yield
      }) : () -> ()
    } else {
    }
    %not3A_68 = arith.constant true
    %not3A_69 = arith.xori %eq3A_3, %not3A_68 : i1
    %convert_element_type3A_70 = arith.extui %not3A_69 : i1 to i32
    %cond3A_71 = arith.constant 0 : i32
    %cond3A_72 = arith.cmpi ne, %convert_element_type3A_70, %cond3A_71 : i32
    scf.if %cond3A_72 {
      %dma_start3A_76 = tpu.memref_slice %arg11[%mul3A_2] : memref<20000xf32, #tpu.memory_space<hbm>> -> memref<640xf32, #tpu.memory_space<hbm>>
      %dma_start3A_77 = tpu.memref_slice %arg11[%mul3A_2] : memref<20000xf32, #tpu.memory_space<hbm>> -> memref<640xf32, #tpu.memory_space<hbm>>
      tpu.enqueue_dma source(%arg27 : memref<640xf32, #tpu.memory_space<vmem>>) target(%dma_start3A_77 : memref<640xf32, #tpu.memory_space<hbm>>) target_semaphore(%arg35 : memref<!tpu.dma_semaphore, #tpu.memory_space<semaphore_mem>>)
      %dma_start3A_78 = tpu.memref_slice %arg12[%mul3A_2] : memref<20000xi32, #tpu.memory_space<hbm>> -> memref<640xi32, #tpu.memory_space<hbm>>
      %dma_start3A_79 = tpu.memref_slice %arg12[%mul3A_2] : memref<20000xi32, #tpu.memory_space<hbm>> -> memref<640xi32, #tpu.memory_space<hbm>>
      tpu.enqueue_dma source(%arg28 : memref<640xi32, #tpu.memory_space<vmem>>) target(%dma_start3A_79 : memref<640xi32, #tpu.memory_space<hbm>>) target_semaphore(%arg35 : memref<!tpu.dma_semaphore, #tpu.memory_space<semaphore_mem>>)
      %dma_start3A_80 = tpu.memref_slice %arg13[%mul3A_2] : memref<20000xi32, #tpu.memory_space<hbm>> -> memref<640xi32, #tpu.memory_space<hbm>>
      %dma_start3A_81 = tpu.memref_slice %arg13[%mul3A_2] : memref<20000xi32, #tpu.memory_space<hbm>> -> memref<640xi32, #tpu.memory_space<hbm>>
      tpu.enqueue_dma source(%arg29 : memref<640xi32, #tpu.memory_space<vmem>>) target(%dma_start3A_81 : memref<640xi32, #tpu.memory_space<hbm>>) target_semaphore(%arg35 : memref<!tpu.dma_semaphore, #tpu.memory_space<semaphore_mem>>)
      %dma_start3A_82 = tpu.memref_slice %arg14[%mul3A_2] : memref<20000xf32, #tpu.memory_space<hbm>> -> memref<640xf32, #tpu.memory_space<hbm>>
      %dma_start3A_83 = tpu.memref_slice %arg14[%mul3A_2] : memref<20000xf32, #tpu.memory_space<hbm>> -> memref<640xf32, #tpu.memory_space<hbm>>
      tpu.enqueue_dma source(%arg30 : memref<640xf32, #tpu.memory_space<vmem>>) target(%dma_start3A_83 : memref<640xf32, #tpu.memory_space<hbm>>) target_semaphore(%arg35 : memref<!tpu.dma_semaphore, #tpu.memory_space<semaphore_mem>>)
      %dma_start3A_84 = tpu.memref_slice %arg15[%mul3A_2] : memref<20000xf32, #tpu.memory_space<hbm>> -> memref<640xf32, #tpu.memory_space<hbm>>
      %dma_start3A_85 = tpu.memref_slice %arg15[%mul3A_2] : memref<20000xf32, #tpu.memory_space<hbm>> -> memref<640xf32, #tpu.memory_space<hbm>>
      tpu.enqueue_dma source(%arg31 : memref<640xf32, #tpu.memory_space<vmem>>) target(%dma_start3A_85 : memref<640xf32, #tpu.memory_space<hbm>>) target_semaphore(%arg35 : memref<!tpu.dma_semaphore, #tpu.memory_space<semaphore_mem>>)
      %dma_start3A_86 = tpu.memref_slice %arg16[%mul3A_2] : memref<20000xf32, #tpu.memory_space<hbm>> -> memref<640xf32, #tpu.memory_space<hbm>>
      %dma_start3A_87 = tpu.memref_slice %arg16[%mul3A_2] : memref<20000xf32, #tpu.memory_space<hbm>> -> memref<640xf32, #tpu.memory_space<hbm>>
      tpu.enqueue_dma source(%arg32 : memref<640xf32, #tpu.memory_space<vmem>>) target(%dma_start3A_87 : memref<640xf32, #tpu.memory_space<hbm>>) target_semaphore(%arg35 : memref<!tpu.dma_semaphore, #tpu.memory_space<semaphore_mem>>)
      %dma_start3A_88 = tpu.memref_slice %arg17[%mul3A_2] : memref<20000xf32, #tpu.memory_space<hbm>> -> memref<640xf32, #tpu.memory_space<hbm>>
      %dma_start3A_89 = tpu.memref_slice %arg17[%mul3A_2] : memref<20000xf32, #tpu.memory_space<hbm>> -> memref<640xf32, #tpu.memory_space<hbm>>
      tpu.enqueue_dma source(%arg33 : memref<640xf32, #tpu.memory_space<vmem>>) target(%dma_start3A_89 : memref<640xf32, #tpu.memory_space<hbm>>) target_semaphore(%arg35 : memref<!tpu.dma_semaphore, #tpu.memory_space<semaphore_mem>>)
      %dma_wait3A_90 = tpu.memref_slice %arg11[%mul3A_2] : memref<20000xf32, #tpu.memory_space<hbm>> -> memref<640xf32, #tpu.memory_space<hbm>>
      %dma_wait3A_91 = tpu.memref_slice %arg11[%mul3A_2] : memref<20000xf32, #tpu.memory_space<hbm>> -> memref<640xf32, #tpu.memory_space<hbm>>
      tpu.wait_dma2 semaphore(%arg35 : memref<!tpu.dma_semaphore, #tpu.memory_space<semaphore_mem>>) src(%arg27 : memref<640xf32, #tpu.memory_space<vmem>>) dst(%dma_wait3A_91 : memref<640xf32, #tpu.memory_space<hbm>>)
      %dma_wait3A_92 = tpu.memref_slice %arg12[%mul3A_2] : memref<20000xi32, #tpu.memory_space<hbm>> -> memref<640xi32, #tpu.memory_space<hbm>>
      %dma_wait3A_93 = tpu.memref_slice %arg12[%mul3A_2] : memref<20000xi32, #tpu.memory_space<hbm>> -> memref<640xi32, #tpu.memory_space<hbm>>
      tpu.wait_dma2 semaphore(%arg35 : memref<!tpu.dma_semaphore, #tpu.memory_space<semaphore_mem>>) src(%arg28 : memref<640xi32, #tpu.memory_space<vmem>>) dst(%dma_wait3A_93 : memref<640xi32, #tpu.memory_space<hbm>>)
      %dma_wait3A_94 = tpu.memref_slice %arg13[%mul3A_2] : memref<20000xi32, #tpu.memory_space<hbm>> -> memref<640xi32, #tpu.memory_space<hbm>>
      %dma_wait3A_95 = tpu.memref_slice %arg13[%mul3A_2] : memref<20000xi32, #tpu.memory_space<hbm>> -> memref<640xi32, #tpu.memory_space<hbm>>
      tpu.wait_dma2 semaphore(%arg35 : memref<!tpu.dma_semaphore, #tpu.memory_space<semaphore_mem>>) src(%arg29 : memref<640xi32, #tpu.memory_space<vmem>>) dst(%dma_wait3A_95 : memref<640xi32, #tpu.memory_space<hbm>>)
      %dma_wait3A_96 = tpu.memref_slice %arg14[%mul3A_2] : memref<20000xf32, #tpu.memory_space<hbm>> -> memref<640xf32, #tpu.memory_space<hbm>>
      %dma_wait3A_97 = tpu.memref_slice %arg14[%mul3A_2] : memref<20000xf32, #tpu.memory_space<hbm>> -> memref<640xf32, #tpu.memory_space<hbm>>
      tpu.wait_dma2 semaphore(%arg35 : memref<!tpu.dma_semaphore, #tpu.memory_space<semaphore_mem>>) src(%arg30 : memref<640xf32, #tpu.memory_space<vmem>>) dst(%dma_wait3A_97 : memref<640xf32, #tpu.memory_space<hbm>>)
      %dma_wait3A_98 = tpu.memref_slice %arg15[%mul3A_2] : memref<20000xf32, #tpu.memory_space<hbm>> -> memref<640xf32, #tpu.memory_space<hbm>>
      %dma_wait3A_99 = tpu.memref_slice %arg15[%mul3A_2] : memref<20000xf32, #tpu.memory_space<hbm>> -> memref<640xf32, #tpu.memory_space<hbm>>
      tpu.wait_dma2 semaphore(%arg35 : memref<!tpu.dma_semaphore, #tpu.memory_space<semaphore_mem>>) src(%arg31 : memref<640xf32, #tpu.memory_space<vmem>>) dst(%dma_wait3A_99 : memref<640xf32, #tpu.memory_space<hbm>>)
      %dma_wait3A_100 = tpu.memref_slice %arg16[%mul3A_2] : memref<20000xf32, #tpu.memory_space<hbm>> -> memref<640xf32, #tpu.memory_space<hbm>>
      %dma_wait3A_101 = tpu.memref_slice %arg16[%mul3A_2] : memref<20000xf32, #tpu.memory_space<hbm>> -> memref<640xf32, #tpu.memory_space<hbm>>
      tpu.wait_dma2 semaphore(%arg35 : memref<!tpu.dma_semaphore, #tpu.memory_space<semaphore_mem>>) src(%arg32 : memref<640xf32, #tpu.memory_space<vmem>>) dst(%dma_wait3A_101 : memref<640xf32, #tpu.memory_space<hbm>>)
      %dma_wait3A_102 = tpu.memref_slice %arg17[%mul3A_2] : memref<20000xf32, #tpu.memory_space<hbm>> -> memref<640xf32, #tpu.memory_space<hbm>>
      %dma_wait3A_103 = tpu.memref_slice %arg17[%mul3A_2] : memref<20000xf32, #tpu.memory_space<hbm>> -> memref<640xf32, #tpu.memory_space<hbm>>
      tpu.wait_dma2 semaphore(%arg35 : memref<!tpu.dma_semaphore, #tpu.memory_space<semaphore_mem>>) src(%arg33 : memref<640xf32, #tpu.memory_space<vmem>>) dst(%dma_wait3A_103 : memref<640xf32, #tpu.memory_space<hbm>>)
    } else {
    }
    %convert_element_type3A_73 = arith.extui %eq3A_3 : i1 to i32
    %cond3A_74 = arith.constant 0 : i32
    %cond3A_75 = arith.cmpi ne, %convert_element_type3A_73, %cond3A_74 : i32
    scf.if %cond3A_75 {
      %dma_start3A_76 = arith.constant 0 : i32
      %dma_start3A_77 = tpu.memref_slice %arg27[%dma_start3A_76] : memref<640xf32, #tpu.memory_space<vmem>> -> memref<160xf32, #tpu.memory_space<vmem>>
      %dma_start3A_78 = tpu.memref_slice %arg11[%mul3A_2] : memref<20000xf32, #tpu.memory_space<hbm>> -> memref<160xf32, #tpu.memory_space<hbm>>
      %dma_start3A_79 = tpu.memref_slice %arg11[%mul3A_2] : memref<20000xf32, #tpu.memory_space<hbm>> -> memref<160xf32, #tpu.memory_space<hbm>>
      %dma_start3A_80 = arith.constant 0 : i32
      %dma_start3A_81 = tpu.memref_slice %arg27[%dma_start3A_80] : memref<640xf32, #tpu.memory_space<vmem>> -> memref<160xf32, #tpu.memory_space<vmem>>
      tpu.enqueue_dma source(%dma_start3A_81 : memref<160xf32, #tpu.memory_space<vmem>>) target(%dma_start3A_79 : memref<160xf32, #tpu.memory_space<hbm>>) target_semaphore(%arg35 : memref<!tpu.dma_semaphore, #tpu.memory_space<semaphore_mem>>)
      %dma_start3A_82 = arith.constant 0 : i32
      %dma_start3A_83 = tpu.memref_slice %arg28[%dma_start3A_82] : memref<640xi32, #tpu.memory_space<vmem>> -> memref<160xi32, #tpu.memory_space<vmem>>
      %dma_start3A_84 = tpu.memref_slice %arg12[%mul3A_2] : memref<20000xi32, #tpu.memory_space<hbm>> -> memref<160xi32, #tpu.memory_space<hbm>>
      %dma_start3A_85 = tpu.memref_slice %arg12[%mul3A_2] : memref<20000xi32, #tpu.memory_space<hbm>> -> memref<160xi32, #tpu.memory_space<hbm>>
      %dma_start3A_86 = arith.constant 0 : i32
      %dma_start3A_87 = tpu.memref_slice %arg28[%dma_start3A_86] : memref<640xi32, #tpu.memory_space<vmem>> -> memref<160xi32, #tpu.memory_space<vmem>>
      tpu.enqueue_dma source(%dma_start3A_87 : memref<160xi32, #tpu.memory_space<vmem>>) target(%dma_start3A_85 : memref<160xi32, #tpu.memory_space<hbm>>) target_semaphore(%arg35 : memref<!tpu.dma_semaphore, #tpu.memory_space<semaphore_mem>>)
      %dma_start3A_88 = arith.constant 0 : i32
      %dma_start3A_89 = tpu.memref_slice %arg29[%dma_start3A_88] : memref<640xi32, #tpu.memory_space<vmem>> -> memref<160xi32, #tpu.memory_space<vmem>>
      %dma_start3A_90 = tpu.memref_slice %arg13[%mul3A_2] : memref<20000xi32, #tpu.memory_space<hbm>> -> memref<160xi32, #tpu.memory_space<hbm>>
      %dma_start3A_91 = tpu.memref_slice %arg13[%mul3A_2] : memref<20000xi32, #tpu.memory_space<hbm>> -> memref<160xi32, #tpu.memory_space<hbm>>
      %dma_start3A_92 = arith.constant 0 : i32
      %dma_start3A_93 = tpu.memref_slice %arg29[%dma_start3A_92] : memref<640xi32, #tpu.memory_space<vmem>> -> memref<160xi32, #tpu.memory_space<vmem>>
      tpu.enqueue_dma source(%dma_start3A_93 : memref<160xi32, #tpu.memory_space<vmem>>) target(%dma_start3A_91 : memref<160xi32, #tpu.memory_space<hbm>>) target_semaphore(%arg35 : memref<!tpu.dma_semaphore, #tpu.memory_space<semaphore_mem>>)
      %dma_start3A_94 = arith.constant 0 : i32
      %dma_start3A_95 = tpu.memref_slice %arg30[%dma_start3A_94] : memref<640xf32, #tpu.memory_space<vmem>> -> memref<160xf32, #tpu.memory_space<vmem>>
      %dma_start3A_96 = tpu.memref_slice %arg14[%mul3A_2] : memref<20000xf32, #tpu.memory_space<hbm>> -> memref<160xf32, #tpu.memory_space<hbm>>
      %dma_start3A_97 = tpu.memref_slice %arg14[%mul3A_2] : memref<20000xf32, #tpu.memory_space<hbm>> -> memref<160xf32, #tpu.memory_space<hbm>>
      %dma_start3A_98 = arith.constant 0 : i32
      %dma_start3A_99 = tpu.memref_slice %arg30[%dma_start3A_98] : memref<640xf32, #tpu.memory_space<vmem>> -> memref<160xf32, #tpu.memory_space<vmem>>
      tpu.enqueue_dma source(%dma_start3A_99 : memref<160xf32, #tpu.memory_space<vmem>>) target(%dma_start3A_97 : memref<160xf32, #tpu.memory_space<hbm>>) target_semaphore(%arg35 : memref<!tpu.dma_semaphore, #tpu.memory_space<semaphore_mem>>)
      %dma_start3A_100 = arith.constant 0 : i32
      %dma_start3A_101 = tpu.memref_slice %arg31[%dma_start3A_100] : memref<640xf32, #tpu.memory_space<vmem>> -> memref<160xf32, #tpu.memory_space<vmem>>
      %dma_start3A_102 = tpu.memref_slice %arg15[%mul3A_2] : memref<20000xf32, #tpu.memory_space<hbm>> -> memref<160xf32, #tpu.memory_space<hbm>>
      %dma_start3A_103 = tpu.memref_slice %arg15[%mul3A_2] : memref<20000xf32, #tpu.memory_space<hbm>> -> memref<160xf32, #tpu.memory_space<hbm>>
      %dma_start3A_104 = arith.constant 0 : i32
      %dma_start3A_105 = tpu.memref_slice %arg31[%dma_start3A_104] : memref<640xf32, #tpu.memory_space<vmem>> -> memref<160xf32, #tpu.memory_space<vmem>>
      tpu.enqueue_dma source(%dma_start3A_105 : memref<160xf32, #tpu.memory_space<vmem>>) target(%dma_start3A_103 : memref<160xf32, #tpu.memory_space<hbm>>) target_semaphore(%arg35 : memref<!tpu.dma_semaphore, #tpu.memory_space<semaphore_mem>>)
      %dma_start3A_106 = arith.constant 0 : i32
      %dma_start3A_107 = tpu.memref_slice %arg32[%dma_start3A_106] : memref<640xf32, #tpu.memory_space<vmem>> -> memref<160xf32, #tpu.memory_space<vmem>>
      %dma_start3A_108 = tpu.memref_slice %arg16[%mul3A_2] : memref<20000xf32, #tpu.memory_space<hbm>> -> memref<160xf32, #tpu.memory_space<hbm>>
      %dma_start3A_109 = tpu.memref_slice %arg16[%mul3A_2] : memref<20000xf32, #tpu.memory_space<hbm>> -> memref<160xf32, #tpu.memory_space<hbm>>
      %dma_start3A_110 = arith.constant 0 : i32
      %dma_start3A_111 = tpu.memref_slice %arg32[%dma_start3A_110] : memref<640xf32, #tpu.memory_space<vmem>> -> memref<160xf32, #tpu.memory_space<vmem>>
      tpu.enqueue_dma source(%dma_start3A_111 : memref<160xf32, #tpu.memory_space<vmem>>) target(%dma_start3A_109 : memref<160xf32, #tpu.memory_space<hbm>>) target_semaphore(%arg35 : memref<!tpu.dma_semaphore, #tpu.memory_space<semaphore_mem>>)
      %dma_start3A_112 = arith.constant 0 : i32
      %dma_start3A_113 = tpu.memref_slice %arg33[%dma_start3A_112] : memref<640xf32, #tpu.memory_space<vmem>> -> memref<160xf32, #tpu.memory_space<vmem>>
      %dma_start3A_114 = tpu.memref_slice %arg17[%mul3A_2] : memref<20000xf32, #tpu.memory_space<hbm>> -> memref<160xf32, #tpu.memory_space<hbm>>
      %dma_start3A_115 = tpu.memref_slice %arg17[%mul3A_2] : memref<20000xf32, #tpu.memory_space<hbm>> -> memref<160xf32, #tpu.memory_space<hbm>>
      %dma_start3A_116 = arith.constant 0 : i32
      %dma_start3A_117 = tpu.memref_slice %arg33[%dma_start3A_116] : memref<640xf32, #tpu.memory_space<vmem>> -> memref<160xf32, #tpu.memory_space<vmem>>
      tpu.enqueue_dma source(%dma_start3A_117 : memref<160xf32, #tpu.memory_space<vmem>>) target(%dma_start3A_115 : memref<160xf32, #tpu.memory_space<hbm>>) target_semaphore(%arg35 : memref<!tpu.dma_semaphore, #tpu.memory_space<semaphore_mem>>)
      %dma_wait3A_118 = arith.constant 0 : i32
      %dma_wait3A_119 = tpu.memref_slice %arg27[%dma_wait3A_118] : memref<640xf32, #tpu.memory_space<vmem>> -> memref<160xf32, #tpu.memory_space<vmem>>
      %dma_wait3A_120 = tpu.memref_slice %arg11[%mul3A_2] : memref<20000xf32, #tpu.memory_space<hbm>> -> memref<160xf32, #tpu.memory_space<hbm>>
      %dma_wait3A_121 = tpu.memref_slice %arg11[%mul3A_2] : memref<20000xf32, #tpu.memory_space<hbm>> -> memref<160xf32, #tpu.memory_space<hbm>>
      %dma_wait3A_122 = arith.constant 0 : i32
      %dma_wait3A_123 = tpu.memref_slice %arg27[%dma_wait3A_122] : memref<640xf32, #tpu.memory_space<vmem>> -> memref<160xf32, #tpu.memory_space<vmem>>
      tpu.wait_dma2 semaphore(%arg35 : memref<!tpu.dma_semaphore, #tpu.memory_space<semaphore_mem>>) src(%dma_wait3A_123 : memref<160xf32, #tpu.memory_space<vmem>>) dst(%dma_wait3A_121 : memref<160xf32, #tpu.memory_space<hbm>>)
      %dma_wait3A_124 = arith.constant 0 : i32
      %dma_wait3A_125 = tpu.memref_slice %arg28[%dma_wait3A_124] : memref<640xi32, #tpu.memory_space<vmem>> -> memref<160xi32, #tpu.memory_space<vmem>>
      %dma_wait3A_126 = tpu.memref_slice %arg12[%mul3A_2] : memref<20000xi32, #tpu.memory_space<hbm>> -> memref<160xi32, #tpu.memory_space<hbm>>
      %dma_wait3A_127 = tpu.memref_slice %arg12[%mul3A_2] : memref<20000xi32, #tpu.memory_space<hbm>> -> memref<160xi32, #tpu.memory_space<hbm>>
      %dma_wait3A_128 = arith.constant 0 : i32
      %dma_wait3A_129 = tpu.memref_slice %arg28[%dma_wait3A_128] : memref<640xi32, #tpu.memory_space<vmem>> -> memref<160xi32, #tpu.memory_space<vmem>>
      tpu.wait_dma2 semaphore(%arg35 : memref<!tpu.dma_semaphore, #tpu.memory_space<semaphore_mem>>) src(%dma_wait3A_129 : memref<160xi32, #tpu.memory_space<vmem>>) dst(%dma_wait3A_127 : memref<160xi32, #tpu.memory_space<hbm>>)
      %dma_wait3A_130 = arith.constant 0 : i32
      %dma_wait3A_131 = tpu.memref_slice %arg29[%dma_wait3A_130] : memref<640xi32, #tpu.memory_space<vmem>> -> memref<160xi32, #tpu.memory_space<vmem>>
      %dma_wait3A_132 = tpu.memref_slice %arg13[%mul3A_2] : memref<20000xi32, #tpu.memory_space<hbm>> -> memref<160xi32, #tpu.memory_space<hbm>>
      %dma_wait3A_133 = tpu.memref_slice %arg13[%mul3A_2] : memref<20000xi32, #tpu.memory_space<hbm>> -> memref<160xi32, #tpu.memory_space<hbm>>
      %dma_wait3A_134 = arith.constant 0 : i32
      %dma_wait3A_135 = tpu.memref_slice %arg29[%dma_wait3A_134] : memref<640xi32, #tpu.memory_space<vmem>> -> memref<160xi32, #tpu.memory_space<vmem>>
      tpu.wait_dma2 semaphore(%arg35 : memref<!tpu.dma_semaphore, #tpu.memory_space<semaphore_mem>>) src(%dma_wait3A_135 : memref<160xi32, #tpu.memory_space<vmem>>) dst(%dma_wait3A_133 : memref<160xi32, #tpu.memory_space<hbm>>)
      %dma_wait3A_136 = arith.constant 0 : i32
      %dma_wait3A_137 = tpu.memref_slice %arg30[%dma_wait3A_136] : memref<640xf32, #tpu.memory_space<vmem>> -> memref<160xf32, #tpu.memory_space<vmem>>
      %dma_wait3A_138 = tpu.memref_slice %arg14[%mul3A_2] : memref<20000xf32, #tpu.memory_space<hbm>> -> memref<160xf32, #tpu.memory_space<hbm>>
      %dma_wait3A_139 = tpu.memref_slice %arg14[%mul3A_2] : memref<20000xf32, #tpu.memory_space<hbm>> -> memref<160xf32, #tpu.memory_space<hbm>>
      %dma_wait3A_140 = arith.constant 0 : i32
      %dma_wait3A_141 = tpu.memref_slice %arg30[%dma_wait3A_140] : memref<640xf32, #tpu.memory_space<vmem>> -> memref<160xf32, #tpu.memory_space<vmem>>
      tpu.wait_dma2 semaphore(%arg35 : memref<!tpu.dma_semaphore, #tpu.memory_space<semaphore_mem>>) src(%dma_wait3A_141 : memref<160xf32, #tpu.memory_space<vmem>>) dst(%dma_wait3A_139 : memref<160xf32, #tpu.memory_space<hbm>>)
      %dma_wait3A_142 = arith.constant 0 : i32
      %dma_wait3A_143 = tpu.memref_slice %arg31[%dma_wait3A_142] : memref<640xf32, #tpu.memory_space<vmem>> -> memref<160xf32, #tpu.memory_space<vmem>>
      %dma_wait3A_144 = tpu.memref_slice %arg15[%mul3A_2] : memref<20000xf32, #tpu.memory_space<hbm>> -> memref<160xf32, #tpu.memory_space<hbm>>
      %dma_wait3A_145 = tpu.memref_slice %arg15[%mul3A_2] : memref<20000xf32, #tpu.memory_space<hbm>> -> memref<160xf32, #tpu.memory_space<hbm>>
      %dma_wait3A_146 = arith.constant 0 : i32
      %dma_wait3A_147 = tpu.memref_slice %arg31[%dma_wait3A_146] : memref<640xf32, #tpu.memory_space<vmem>> -> memref<160xf32, #tpu.memory_space<vmem>>
      tpu.wait_dma2 semaphore(%arg35 : memref<!tpu.dma_semaphore, #tpu.memory_space<semaphore_mem>>) src(%dma_wait3A_147 : memref<160xf32, #tpu.memory_space<vmem>>) dst(%dma_wait3A_145 : memref<160xf32, #tpu.memory_space<hbm>>)
      %dma_wait3A_148 = arith.constant 0 : i32
      %dma_wait3A_149 = tpu.memref_slice %arg32[%dma_wait3A_148] : memref<640xf32, #tpu.memory_space<vmem>> -> memref<160xf32, #tpu.memory_space<vmem>>
      %dma_wait3A_150 = tpu.memref_slice %arg16[%mul3A_2] : memref<20000xf32, #tpu.memory_space<hbm>> -> memref<160xf32, #tpu.memory_space<hbm>>
      %dma_wait3A_151 = tpu.memref_slice %arg16[%mul3A_2] : memref<20000xf32, #tpu.memory_space<hbm>> -> memref<160xf32, #tpu.memory_space<hbm>>
      %dma_wait3A_152 = arith.constant 0 : i32
      %dma_wait3A_153 = tpu.memref_slice %arg32[%dma_wait3A_152] : memref<640xf32, #tpu.memory_space<vmem>> -> memref<160xf32, #tpu.memory_space<vmem>>
      tpu.wait_dma2 semaphore(%arg35 : memref<!tpu.dma_semaphore, #tpu.memory_space<semaphore_mem>>) src(%dma_wait3A_153 : memref<160xf32, #tpu.memory_space<vmem>>) dst(%dma_wait3A_151 : memref<160xf32, #tpu.memory_space<hbm>>)
      %dma_wait3A_154 = arith.constant 0 : i32
      %dma_wait3A_155 = tpu.memref_slice %arg33[%dma_wait3A_154] : memref<640xf32, #tpu.memory_space<vmem>> -> memref<160xf32, #tpu.memory_space<vmem>>
      %dma_wait3A_156 = tpu.memref_slice %arg17[%mul3A_2] : memref<20000xf32, #tpu.memory_space<hbm>> -> memref<160xf32, #tpu.memory_space<hbm>>
      %dma_wait3A_157 = tpu.memref_slice %arg17[%mul3A_2] : memref<20000xf32, #tpu.memory_space<hbm>> -> memref<160xf32, #tpu.memory_space<hbm>>
      %dma_wait3A_158 = arith.constant 0 : i32
      %dma_wait3A_159 = tpu.memref_slice %arg33[%dma_wait3A_158] : memref<640xf32, #tpu.memory_space<vmem>> -> memref<160xf32, #tpu.memory_space<vmem>>
      tpu.wait_dma2 semaphore(%arg35 : memref<!tpu.dma_semaphore, #tpu.memory_space<semaphore_mem>>) src(%dma_wait3A_159 : memref<160xf32, #tpu.memory_space<vmem>>) dst(%dma_wait3A_157 : memref<160xf32, #tpu.memory_space<hbm>>)
    } else {
    }
    return
  }
}

</mosaic_0001>

<sc_bundles>
// kernel: kernel.3.cloned.1.call-start
scs
__scs_entry_jumppad:
0x0: {  	(pc) =	sbr.rel $0x88, $3  }
0x1: {  	(tag) =	ssettag $0x0;
	lr =	simm.s32 $0x1  }
0x2: {  	[smem:$0x3F9E] =	sst lr;
	_ =	strace $0xD0000000  }
0x3: {  	_ = 	snop  }
0x4: {  	_ = 	snop  }
0x5: {  	_ = 	snop  }
0x6: {  	_ = 	snop  }
0x7: {  	_ = 	snop  }
__scs_overlays_trampoline_lowered:
0x8: {  	[smem:$0x3FAD] =	sst s0  }
0x9: {  	[smem:$0x3FAE] =	sst s1  }
0xa: {  	[smem:$0x3FAF] =	sst s2  }
0xb: {  	[smem:$0x3FB0] =	sst s3  }
0xc: {  	[smem:$0x3FB1] =	sst s4  }
0xd: {  	[smem:$0x3FB2] =	sst s5  }
0xe: {  	[smem:$0x3FB3] =	sst s6  }
0xf: {  	[smem:$0x3FB4] =	sst s7  }
0x10: {  	[smem:$0x3FB5] =	sst s8  }
0x11: {  	[smem:$0x3FB6] =	sst s9;
	s0 =	simm.s32 @!p0 $0x0  }
0x12: {  	s1 =	sld [smem:$0x3F9C];
	s0 =	simm.s32 @p0 $0x1  }
0x13: {  	[smem:$0x3FB7] =	sst s0;
	s0 =	simm.s32 @!p1 $0x0  }
0x14: {  	s2 =	sld [smem:$0x3F9B];
	s0 =	simm.s32 @p1 $0x1  }
0x15: {  	[smem:$0x3FB8] =	sst s0;
	s0 =	simm.s32 @!p2 $0x0  }
0x16: {  	s3 =	sld [smem:$0x3FDB];
	s0 =	simm.s32 @p2 $0x1  }
0x17: {  	s4 =	simm.s32 $0x1BF5;
	[smem:$0x3FBA] =	sst s0  }
0x18: {  	s0 =	sld [smem:$0x3F9D];
	_ =	swait.ge [sflag:s4], $0x0  }
0x19: {  	s7 =	sld [smem:$0x3F9E]  }
0x1a: {  	s8 =	sadd.s32 $0xFFFFE003, lr  }
0x1b: {  	s9 =	sadd.s32 $0xFFFFFEF7, lr;
	s5 =	simm.s32 $0xFFFFFFFF;
	p2 =	slt.u32 s8, $0xFFFFF086  }
0x1c: {  	p1 =	slt.u32 s9, $0xF7A;
	s5 =	simm.s32 @!p2 $0x0  }
0x1d: {  	s5 =	simm.s32 @p1 $0x1;
	p0 =	seq.s32 s7, s2  }
0x1e: {  	s7 =	smul.u32 @!p0 $0xF7A, s2;
	p2 =	seq.s32 @!p0 s5, $0x0  }
0x1f: {  	s9 =	smul.u32 $0xF7A, s1;
	s8 =	simm.s32 @!p0 $0x1BF5;
	p2 =	por !p2, p0  }
0x20: {  	[sflag:s8] =	ssyncset.s32 @!p0 $0xFFFFF086;
	s6 =	sadd.s32 @!p0 s3, s7;
	s7 =	simm.s32 @!p0 $0x108  }
0x21: {  	s3 =	sadd.s32 s3, s9;
	s6 =	sadd.s32 @!p0 $0x88, s6;
	s7 =	simm.s32 @p2 $0x1082  }
0x22: {  	[simem:s7], [sflag:s8] =	dma.local @!p0 [hbm:s6], $0xF7A  }
0x23: {  	s9 =	sor.u32 $0xD0000000, s2;
	s6 =	simm.s32 $0x108;
	_ =	swait.ge @!p0 [sflag:s8], $0x0  }
0x24: {  	s3 =	sadd.s32 $0x88, s3;
	s6 =	simm.s32 @!p1 $0x1082;
	[sflag:s4] =	ssyncset.s32 $0xFFFFF086  }
0x25: {  	[simem:s6], [sflag:s4] =	dma.local [hbm:s3], $0xF7A  }
0x26: {  	[smem:$0x3F9E] =	sst s1;
	(tag) =	ssettag s2;
	_ =	strace s9  }
0x27: {  	s1 =	sld [smem:$0x3FAE]  }
0x28: {  	s2 =	sld [smem:$0x3FAF]  }
0x29: {  	s4 =	sld [smem:$0x3FB1]  }
0x2a: {  	p0 =	seq.s32 s5, $0x0;
	s5 =	sld [smem:$0x3FB2]  }
0x2b: {  	s6 =	sld [smem:$0x3FB3]  }
0x2c: {  	s7 =	sld [smem:$0x3FB4]  }
0x2d: {  	s3 =	simm.s32 $0x108;
	s8 =	sld [smem:$0x3FB5]  }
0x2e: {  	s3 =	simm.s32 @!p0 $0x1082;
	s9 =	sld [smem:$0x3FB6]  }
0x2f: {  	lr =	sadd.s32 s0, s3;
	s0 =	sld [smem:$0x3FAD]  }
0x30: {  	s3 =	sld [smem:$0x3FB0]  }
0x31: {  	[smem:$0x3FB9] =	sst s10  }
0x32: {  	s10 =	sld [smem:$0x3FB7];
	_ =	sdelay $0x3  }
0x33: {  	p0 =	seq.s32 s10, $0x1;
	s10 =	sld [smem:$0x3FB9];
	_ =	sdelay $0x3  }
0x34: {  	[smem:$0x3FB9] =	sst s10  }
0x35: {  	s10 =	sld [smem:$0x3FB8];
	_ =	sdelay $0x3  }
0x36: {  	p1 =	seq.s32 s10, $0x1;
	s10 =	sld [smem:$0x3FB9];
	_ =	sdelay $0x3  }
0x37: {  	[smem:$0x3FB9] =	sst s10  }
0x38: {  	s10 =	sld [smem:$0x3FBA]  }
0x39: {  	_ = 	snop;
	(pc) =	sbr.ind lr, $3  }
0x3a: {  	_ = 	snop  }
0x3b: {  	_ = 	snop  }
0x3c: {  	p2 =	seq.s32 s10, $0x1;
	s10 =	sld [smem:$0x3FB9]  }
0x3d: {  	_ =	shalt  }
0x3e: {  	_ =	shalt  }
0x3f: {  	_ =	shalt  }
0x40: {  	_ =	shalt  }
0x41: {  	_ =	shalt  }
0x42: {  	_ =	shalt  }
0x43: {  	_ =	shalt  }
0x44: {  	_ =	shalt  }
0x45: {  	_ =	shalt  }
0x46: {  	_ =	shalt  }
0x47: {  	_ =	shalt  }
0x48: {  	_ =	shalt  }
0x49: {  	_ =	shalt  }
0x4a: {  	_ =	shalt  }
0x4b: {  	_ =	shalt  }
0x4c: {  	_ =	shalt  }
0x4d: {  	_ =	shalt  }
0x4e: {  	_ =	shalt  }
0x4f: {  	_ =	shalt  }
0x50: {  	_ =	shalt  }
0x51: {  	_ =	shalt  }
0x52: {  	_ =	shalt  }
0x53: {  	_ =	shalt  }
0x54: {  	_ =	shalt  }
0x55: {  	_ =	shalt  }
0x56: {  	_ =	shalt  }
0x57: {  	_ =	shalt  }
0x58: {  	_ =	shalt  }
0x59: {  	_ =	shalt  }
0x5a: {  	_ =	shalt  }
0x5b: {  	_ =	shalt  }
0x5c: {  	_ =	shalt  }
0x5d: {  	_ =	shalt  }
0x5e: {  	_ =	shalt  }
0x5f: {  	_ =	shalt  }
0x60: {  	_ =	shalt  }
0x61: {  	_ =	shalt  }
0x62: {  	_ =	shalt  }
0x63: {  	_ =	shalt  }
0x64: {  	_ =	shalt  }
0x65: {  	_ =	shalt  }
0x66: {  	_ =	shalt  }
0x67: {  	_ =	shalt  }
0x68: {  	_ =	shalt  }
0x69: {  	_ =	shalt  }
0x6a: {  	_ =	shalt  }
0x6b: {  	_ =	shalt  }
0x6c: {  	_ =	shalt  }
0x6d: {  	_ =	shalt  }
0x6e: {  	_ =	shalt  }
0x6f: {  	_ =	shalt  }
0x70: {  	_ =	shalt  }
0x71: {  	_ =	shalt  }
0x72: {  	_ =	shalt  }
0x73: {  	_ =	shalt  }
0x74: {  	_ =	shalt  }
0x75: {  	_ =	shalt  }
0x76: {  	_ =	shalt  }
0x77: {  	_ =	shalt  }
0x78: {  	_ =	shalt  }
0x79: {  	_ =	shalt  }
0x7a: {  	_ =	shalt  }
0x7b: {  	_ =	shalt  }
0x7c: {  	_ =	shalt  }
0x7d: {  	_ =	shalt  }
0x7e: {  	_ =	shalt  }
0x7f: {  	_ =	shalt  }
0x80: {  	_ =	shalt  }
0x81: {  	_ =	shalt  }
0x82: {  	_ =	shalt  }
0x83: {  	_ =	shalt  }
0x84: {  	_ =	shalt  }
0x85: {  	_ =	shalt  }
0x86: {  	_ =	shalt  }
0x87: {  	_ =	shalt  }
.Lfunc_end0:
.L_simem_size_0:
called_computation_lowered:
.L_overlay_start_0:
0x88: {  	s2 =	sld [smem:$0x3FD9]  }
0x89: {  	s3 =	sld [smem:$0x3FFE];
	_ =	sdelay $0x1  }
0x8a: {  	s1 =	srdreg.scid  }
0x8b: {  	s0 =	sand.u32 $0x1, s1  }
0x8c: {  	s14 =	sshll.u32 s0, $0xA;
	s2 =	sadd.s32 s3, s2  }
0x8d: {  	s2 =	sadd.s32 s2, s14  }
0x8e: {  	[smem:$0x3FC5] =	sst s2  }
0x8f: {  	_ = 	snop  }
0x90: {  	s2 =	sld [smem:$0x3FD0];
	_ =	sdelay $0x2  }
0x91: {  	s4 =	simm.s32 $0xA;
	s5 =	simm.s32 $0x10;
	s15 =	sld [smem:$0x3FC7]  }
0x92: {  	[smem:s5], [sflag:s4] =	dma.local [hbm:s2], $0x1  }
0x93: {  	_ =	swait.eq [sflag:s4], $0x1  }
0x94: {  	s16 =	sld [smem:$0x10]  }
0x95: {  	s17 =	sld [smem:$0x11]  }
0x96: {  	s6 =	sld [smem:$0x12];
	[sflag:s4] =	ssyncset.done $0x0  }
0x97: {  	s7 =	sld [smem:$0x13];
	[sflag:s4] =	ssyncadd.s32 $0xFFFFFFFF  }
0x98: {  	s18 =	sld [smem:$0x14];
	(tm) =	ssettm $0x1  }
0x99: {  	s8 =	sld [smem:$0x3FFB];
	_ =	sdelay $0x3  }
0x9a: {  	_ =	strace s8  }
0x9b: {  	s8 =	sld [smem:$0x3FFC];
	_ =	sdelay $0x3  }
0x9c: {  	_ =	strace s8  }
0x9d: {  	s8 =	sld [smem:$0x3FFD];
	_ =	sdelay $0x3  }
0x9e: {  	_ =	strace s8  }
0x9f: {  	_ =	strace $0x8FFFFFFF  }
0xa0: {  	s19 =	sld [smem:$0x3FDB];
	_ =	sdelay $0x1  }
0xa1: {  	s9 =	simm.s32 $_scs_section_size  }
0xa2: {  	s10 =	simm.s32 $_size__tile_overlayer_lowered;
	s11 =	simm.s32 $_tile_overlayer_lowered  }
0xa3: {  	s22 =	simm.s32 $0x1BFF;
	s21 =	sshll.u32 s11, $0x1;
	s8 =	sadd.s32 s9, s19  }
0xa4: {  	s12 =	simm.s32 $0x0;
	s20 =	sshll.u32 s10, $0x1;
	s10 =	sadd.s32 s21, s8  }
0xa5: {  	[timem:s12], [sflag:s22] =	dma.local [hbm:s10], s20  }
0xa6: {  	_ =	swait.ge [sflag:s22], s20  }
0xa7: {  	s9 =	ssub.s32 $0x0, s20;
	[sflag:s22] =	ssyncset.done $0x0  }
0xa8: {  	[sflag:s22] =	ssyncadd.s32 s9;
	_ =	sdelay $0x1  }
0xa9: {  	s23 =	simm.s32 $0x1B8B  }
0xaa: {  	_ =	swait.ge [sflag:s23], $0x1  }
0xab: {  	[sflag:s23] =	ssyncset.done $0x0  }
0xac: {  	s25 =	simm.s32 $0x1B8E;
	s24 =	sld [smem:$0x3FFE];
	[sflag:s23] =	ssyncadd.s32 $0xFFFFFFFF  }
0xad: {  	s26 =	simm.s32 $execute0_lowered;
	[smem:$0x3FD2] =	sst s25  }
0xae: {  	s10 =	sshll.u32 s26, $0x1;
	_ =	strace $0x80000046;
	[dreg:$0x1] =	wrdreg $0xFFFFFFFF  }
0xaf: {  	s28 =	simm.s32 $_size_execute0_lowered;
	s8 =	sadd.s32 s8, s10;
	[dreg:$0x0] =	wrdreg $0x0  }
0xb0: {  	s10 =	sshll.u32 s28, $0x1;
	[dreg:$0x2] =	wrdreg s8  }
0xb1: {  	[dreg:$0x3] =	wrdreg s10  }
0xb2: {  	[dreg:$0x4] =	wrdreg $0xC0  }
0xb3: {  	_ =	task [dreg:s12], $0x5FFFF  }
0xb4: {  	[dreg:$0x1] =	wrdreg $0xFFFFFFFF  }
0xb5: {  	[dreg:$0x0] =	wrdreg $0x60  }
0xb6: {  	[dreg:$0x2] =	wrdreg s24  }
0xb7: {  	[dreg:$0x3] =	wrdreg s7  }
0xb8: {  	[dreg:$0x4] =	wrdreg s15  }
0xb9: {  	[dreg:$0x5] =	wrdreg s16  }
0xba: {  	[dreg:$0x6] =	wrdreg s17  }
0xbb: {  	[dreg:$0x7] =	wrdreg s6  }
0xbc: {  	[dreg:$0x8] =	wrdreg s18  }
0xbd: {  	[dreg:$0x9] =	wrdreg $0x9  }
0xbe: {  	_ =	task.clear_ibuf [dreg:s12], $0xAFFFF;
	_ =	strace $0x90000046  }
0xbf: {  	s29 =	simm.s32 $0x9;
	_ =	strace $0x80000048  }
0xc0: {  	_ =	swait.ge [sflag:s29], $0x1  }
0xc1: {  	[sflag:s29] =	ssyncadd.s32 $0xFFFFFFFF  }
0xc2: {  	_ =	strace $0x90000048  }
0xc3: {  	_ =	sfence  }
0xc4: {  	s30 =	sld [smem:$0x0];
	_ =	sdelay $0x2  }
0xc5: {  	s31 =	sshll.u32 s1, $0xD;
	s1 =	sshrl.u32 s1, $0x2  }
0xc6: {  	s3 =	sand.u32 $0x4000, s31;
	s1 =	sadd.s32 s1, s30  }
0xc7: {  	s0 =	sor.u32 s3, s0;
	s1 =	sshll.u32 s1, $0x11  }
0xc8: {  	s0 =	sor.u32 s1, s0  }
0xc9: {  	s0 =	sadd.s32 $0x8F2B, s0  }
0xca: {  	[sflag:s0] =	ssyncadd.remote.s32 $0x1  }
0xcb: {  	_ =	sfence.sel $0xFFFF  }
0xcc: {  	[dreg:$0x0] =	wrdreg $0xFFFFFFFF;
	(pc) =	sbr.abs _section_cstart, $3  }
0xcd: {  	[dreg:$0x1] =	wrdreg $0xFFFFFFFF  }
0xce: {  	_ =	task.clear_ibuf [dreg:s12], $0x2FFFF;
	_ =	strace $0x9FFFFFFF  }
0xcf: {  	(tm) =	ssettm $0x7FFFFFFF  }
tec
execute0_lowered:
.L_overlay_start_1:
0x0: {  	(tag) =	ssettag $0x1  }
0x1: {  	s18 =	rddreg [dreg:$0x0]  }
0x2: {  	s0 =	rddreg [dreg:$0x1]  }
0x3: {  	s1 =	rddreg [dreg:$0x3]  }
0x4: {  	s2 =	rddreg [dreg:$0x4]  }
0x5: {  	s3 =	rddreg [dreg:$0x5];
	s4 =	srdreg.scid  }
0x6: {  	s5 =	stileid.u32;
	s29 =	simm.s32 $0x1;
	s30 =	simm.s32 $0x0  }
0x7: {  	s31 =	simm.s32 $0x0;
	s4 =	sand.u32 $0x1, s4;
	s6 =	sshll.u32 s5, $0x1  }
0x8: {  	s5 =	simm.s32 $0x0;
	s7 =	sadd.s32 $0x400, s18;
	s8 =	sadd.s32 $0x200, s18  }
0x9: {  	s13 =	sadd.s32 $0x25B0, s18;
	s14 =	sadd.s32 $0x9B0, s0;
	s24 =	sadd.s32 $0x9B0, s1  }
0xa: {  	s25 =	sadd.s32 $0x9B0, s2;
	s26 =	sadd.s32 $0x9B0, s3;
	s28 =	sadd.s32 $0x11B0, s18  }
0xb: {  	s19 =	sadd.s32 $0x39B0, s18;
	s20 =	sadd.s32 $0x43B0, s18;
	[smem:$0x7FF] =	sst s5  }
0xc: {  	s21 =	sadd.s32 $0x4DB0, s18;
	_ =	strace $0x80000047;
	[dreg:$0x8] =	wrdreg s24  }
0xd: {  	s15 =	sor.u32 s4, s6;
	s4 =	ssub.s32 $0x2, s4;
	[dreg:$0x9] =	wrdreg s25  }
0xe: {  	s6 =	sadd.s32 $0x600, s18;
	s16 =	smul.u32 $0x50, s15;
	[dreg:$0xa] =	wrdreg s26  }
0xf: {  	s9 =	sshrl.u32 s4, $0x1;
	p0 =	seq.s32 s15, $0x1F;
	[dreg:$0x10] =	wrdreg s19  }
0x10: {  	p1 =	sne.s32 s15, $0x0;
	s26 =	sadd.s32 $0x1BB0, s18;
	[dreg:$0x11] =	wrdreg s20  }
0x11: {  	[dreg:$0x12] =	wrdreg s21;
	s4 =	ssub.s32 s4, s9;
	s17 =	sadd.s32 s16, s18  }
0x12: {  	s12 =	sadd.s32 s0, s16;
	s1 =	sadd.s32 s1, s16;
	s2 =	sadd.s32 s2, s16  }
0x13: {  	s3 =	sadd.s32 s3, s16;
	s25 =	smax.u32 s4, $0x1;
	[dreg:$0xb] =	wrdreg s1  }
.Ltmp0:
0x14: {  	s9 =	sadd.s32 $0x1C00, s17;
	[dreg:$0xc] =	wrdreg s2;
	(pc) =	sbr.rel .LBB2_1-.Ltmp0, $4  }
0x15: {  	s10 =	sadd.s32 $0x1200, s17;
	s11 =	sadd.s32 $0x800, s17;
	[dreg:$0xd] =	wrdreg s3  }
0x16: {  	s16 =	sadd.s32 $0x2600, s17;
	s22 =	sadd.s32 $0x3000, s17;
	s23 =	sadd.s32 $0x3A00, s17  }
0x17: {  	s24 =	sadd.s32 $0x4400, s17;
	s17 =	sadd.s32 $0x2FB0, s18;
	[dreg:$0xe] =	wrdreg s16  }
0x18: {  	vm0 =	vcmask @!p1 $0x300;
	s2 =	simm.s32 $0xA00;
	[dreg:$0xf] =	wrdreg s17;
	s17 =	simm.s32 $0xC00  }
.LBB2_9:
0x19: {  	s0 =	rddreg [dreg:$0x8];
	s1 =	simm.s32 $0x3280  }
0x1a: {  	[hbm4b:s0+s5] =	stream.linear.scatter [tilespmem:s1], [sflag:$0x1], $0xA0, $0x38;
	[tilespmem:$0x4480] =	vst v63  }
0x1b: {  	s18 =	rddreg [dreg:$0x9];
	s19 =	simm.s32 $0x3500  }
0x1c: {  	[hbm4b:s18+s5] =	stream.linear.scatter [tilespmem:s19], [sflag:$0x1], $0xA0, $0x38;
	[tilespmem:$0x4480] =	vst v63  }
0x1d: {  	s20 =	rddreg [dreg:$0xa];
	s21 =	simm.s32 $0x3780  }
0x1e: {  	[hbm4b:s20+s5] =	stream.linear.scatter [tilespmem:s21], [sflag:$0x1], $0xA0, $0x38;
	[tilespmem:$0x4480] =	vst v63  }
0x1f: {  	s3 =	rddreg [dreg:$0xf];
	s4 =	simm.s32 $0x3A00  }
0x20: {  	[hbm4b:s3+s5] =	stream.linear.scatter [tilespmem:s4], [sflag:$0x1], $0xA0, $0x38;
	[tilespmem:$0x4480] =	vst v63  }
0x21: {  	s15 =	rddreg [dreg:$0x10];
	s16 =	simm.s32 $0x3C80  }
0x22: {  	[hbm4b:s15+s5] =	stream.linear.scatter [tilespmem:s16], [sflag:$0x1], $0xA0, $0x38;
	[tilespmem:$0x4480] =	vst v63  }
0x23: {  	s18 =	rddreg [dreg:$0x11];
	s19 =	simm.s32 $0x3F00  }
0x24: {  	[hbm4b:s18+s5] =	stream.linear.scatter [tilespmem:s19], [sflag:$0x1], $0xA0, $0x38;
	[tilespmem:$0x4480] =	vst v63  }
0x25: {  	s20 =	rddreg [dreg:$0x12];
	s21 =	simm.s32 $0x4180  }
0x26: {  	[hbm4b:s20+s5] =	stream.linear.scatter [tilespmem:s21], [sflag:$0x1], $0xA0, $0x38;
	[tilespmem:$0x4480] =	vst v63  }
0x27: {  	_ =	swait.ge [sflag:s29], $0xA0  }
0x28: {  	[sflag:s29] =	ssyncset.done $0x0  }
0x29: {  	[sflag:s29] =	ssyncadd.s32 $0xFFFFFF60  }
0x2a: {  	_ =	swait.ge [sflag:s29], $0xA0  }
0x2b: {  	[sflag:s29] =	ssyncset.done $0x0  }
0x2c: {  	[sflag:s29] =	ssyncadd.s32 $0xFFFFFF60  }
0x2d: {  	_ =	swait.ge [sflag:s29], $0xA0  }
0x2e: {  	[sflag:s29] =	ssyncset.done $0x0  }
0x2f: {  	[sflag:s29] =	ssyncadd.s32 $0xFFFFFF60  }
0x30: {  	_ =	swait.ge [sflag:s29], $0xA0  }
0x31: {  	[sflag:s29] =	ssyncset.done $0x0  }
0x32: {  	[sflag:s29] =	ssyncadd.s32 $0xFFFFFF60  }
0x33: {  	_ =	swait.ge [sflag:s29], $0xA0  }
0x34: {  	[sflag:s29] =	ssyncset.done $0x0  }
0x35: {  	[sflag:s29] =	ssyncadd.s32 $0xFFFFFF60  }
0x36: {  	_ =	swait.ge [sflag:s29], $0xA0  }
0x37: {  	[sflag:s29] =	ssyncset.done $0x0  }
0x38: {  	[sflag:s29] =	ssyncadd.s32 $0xFFFFFF60  }
0x39: {  	_ =	swait.ge [sflag:s29], $0xA0  }
0x3a: {  	[sflag:s29] =	ssyncset.done $0x0  }
0x3b: {  	[sflag:s29] =	ssyncadd.s32 $0xFFFFFF60  }
.LBB2_10:
0x3c: {  	s30 =	sadd.s32 $0x1, s30  }
0x3d: {  	p2 =	sne.s32 s30, s25  }
.Ltmp1:
0x3e: {  	_ = 	snop;
	(pc) =	sbr.rel @!p2 .LBB2_11-.Ltmp1, $1  }
0x3f: {  	_ =	sdelay $0x3  }
.LBB2_1:
0x40: {  	[tilespmem:s2], [sflag:$0x1] =	stream.linear.gather [hbm4b:s6+s5], $0x64, $0x38;
	[tilespmem:$0x4480] =	vst v63  }
0x41: {  	s0 =	simm.s32 $0xA70  }
0x42: {  	[tilespmem:s0], [sflag:$0x1] =	stream.linear.gather [hbm4b:s7+s5], $0x64, $0x38;
	[tilespmem:$0x4480] =	vst v63  }
0x43: {  	s18 =	simm.s32 $0xAE0  }
0x44: {  	[tilespmem:s18], [sflag:$0x1] =	stream.linear.gather [hbm4b:s8+s5], $0x64, $0x38;
	[tilespmem:$0x4480] =	vst v63  }
0x45: {  	s19 =	rddreg [dreg:$0x0];
	s1 =	simm.s32 $0xB50  }
0x46: {  	[tilespmem:s1], [sflag:$0x1] =	stream.linear.gather [hbm4b:s19+s5], $0x64, $0x38;
	[tilespmem:$0x4480] =	vst v63  }
0x47: {  	s20 =	rddreg [dreg:$0x2]  }
0x48: {  	[tilespmem:s17], [sflag:$0x1] =	stream.linear.gather [hbm4b:s20+s5], $0x64, $0x38;
	[tilespmem:$0x4480] =	vst v63  }
0x49: {  	s0 =	simm.s32 @p0 $0x0  }
0x4a: {  	[tilespmem:s0], [sflag:$0x2] =	stream.linear.gather @p0 [hbm4b:s13+s0], $0xA0, $0x38;
	[tilespmem:$0x4480] =	vst v63  }
0x4b: {  	s1 =	simm.s32 @p0 $0x280  }
0x4c: {  	[tilespmem:s1], [sflag:$0x2] =	stream.linear.gather @p0 [hbm4b:s26+s0], $0xA0, $0x38;
	[tilespmem:$0x4480] =	vst v63  }
0x4d: {  	s1 =	simm.s32 @p0 $0x500  }
0x4e: {  	[tilespmem:s1], [sflag:$0x2] =	stream.linear.gather @p0 [hbm4b:s28+s0], $0xA0, $0x38;
	[tilespmem:$0x4480] =	vst v63  }
0x4f: {  	s1 =	simm.s32 @p0 $0x780  }
0x50: {  	[tilespmem:s1], [sflag:$0x2] =	stream.linear.gather @p0 [hbm4b:s14+s0], $0xA0, $0x38;
	[tilespmem:$0x4480] =	vst v63  }
0x51: {  	s0 =	simm.s32 @!p0 $0x0  }
0x52: {  	[tilespmem:s0], [sflag:$0x2] =	stream.linear.gather @!p0 [hbm4b:s9+s0], $0x280, $0x38;
	[tilespmem:$0x4480] =	vst v63  }
0x53: {  	s1 =	simm.s32 @!p0 $0x280  }
0x54: {  	[tilespmem:s1], [sflag:$0x2] =	stream.linear.gather @!p0 [hbm4b:s10+s0], $0x280, $0x38;
	[tilespmem:$0x4480] =	vst v63  }
0x55: {  	s1 =	simm.s32 @!p0 $0x500  }
0x56: {  	[tilespmem:s1], [sflag:$0x2] =	stream.linear.gather @!p0 [hbm4b:s11+s0], $0x280, $0x38;
	[tilespmem:$0x4480] =	vst v63  }
0x57: {  	s1 =	simm.s32 @!p0 $0x780  }
0x58: {  	[tilespmem:s1], [sflag:$0x2] =	stream.linear.gather @!p0 [hbm4b:s12+s0], $0x280, $0x38;
	[tilespmem:$0x4480] =	vst v63  }
0x59: {  	_ =	swait.ge [sflag:s29], $0x64  }
0x5a: {  	[sflag:s29] =	ssyncset.done $0x0  }
0x5b: {  	[sflag:s29] =	ssyncadd.s32 $0xFFFFFF9C  }
0x5c: {  	_ =	swait.ge [sflag:s29], $0x64  }
0x5d: {  	[sflag:s29] =	ssyncset.done $0x0  }
0x5e: {  	[sflag:s29] =	ssyncadd.s32 $0xFFFFFF9C  }
0x5f: {  	_ =	swait.ge [sflag:s29], $0x64  }
0x60: {  	[sflag:s29] =	ssyncset.done $0x0  }
0x61: {  	[sflag:s29] =	ssyncadd.s32 $0xFFFFFF9C  }
0x62: {  	_ =	swait.ge [sflag:s29], $0x64  }
0x63: {  	v0 =	vmov s5;
	[sflag:s29] =	ssyncset.done $0x0  }
0x64: {  	v1 =	vadd.s32 $0x150, v0;
	[sflag:s29] =	ssyncadd.s32 $0xFFFFFF9C  }
0x65: {  	v2 =	vadd.s32 $0x70, v0;
	_ =	swait.ge [sflag:s29], $0x64  }
0x66: {  	v3 =	vadd.s32 $0xE0, v0;
	[sflag:s29] =	ssyncset.done $0x0  }
0x67: {  	[sflag:s29] =	ssyncadd.s32 $0xFFFFFF9C  }
0x68: {  	v4 =	vld.idx.msk [tilespmem:v0+s2+$0x0], $0xffff  }
0x69: {  	v7 =	vld.idx.msk [tilespmem:v1+s2+$0x0], $0xffff  }
0x6a: {  	v1 =	vld.idx.msk [tilespmem:v2+s2+$0x0], $0xffff  }
0x6b: {  	v2 =	vld.idx.msk [tilespmem:v3+s2+$0x0], $0xffff;
	_ =	sdelay $0x1  }
0x6c: {  	s21 =	simm.s32 $0xC80  }
0x6d: {  	[tilespmem:s21+$0x0] =	vst v4  }
0x6e: {  	s3 =	simm.s32 $0x1;
	s15 =	sand.u32 $0x7F0, s5;
	[tilespmem:s21+$0x640] =	vst v1  }
0x6f: {  	s16 =	simm.s32 $0x2;
	s4 =	simm.s32 $0x2C00;
	v5 =	vsub.f32 v7, v1;
	v1 =	vmov s3;
	v6 =	vsub.f32 v2, v4;
	[tilespmem:s15+$0x1900] =	vst v2  }
0x70: {  	s0 =	simm.s32 $0x2C00;
	s1 =	simm.s32 $0xC90;
	s3 =	simm.s32 $0x0;
	v3 =	vadd.s32 $0x70, v1;
	v2 =	vadd.s32 $0xE0, v1;
	v4 =	vadd.s32 $0x150, v1;
	[tilespmem:s21+$0x12C0] =	vst v7  }
.LBB2_2:
0x71: {  	s3 =	sadd.s32 $0x10, s3  }
0x72: {  	v5 =	vmul.f32 v5, v6;
	s0 =	sadd.s32 $0x10, s0;
	s18 =	smov.u32 s16;
	s19 =	sadd.s32 $0x1, s16  }
0x73: {  	p2 =	sne.s32 s16, $0x63  }
0x74: {  	[tilespmem:s15+$0x2580] =	vst v5  }
0x75: {  	[tilespmem:s4+$0x0] =	vst v0;
	v0 =	vmov v1;
	s4 =	smov.u32 s0  }
0x76: {  	v6 =	vld.idx.msk [tilespmem:v1+s2+$0x0], $0xffff  }
0x77: {  	v7 =	vld.idx.msk [tilespmem:v4+s2+$0x0], $0xffff  }
0x78: {  	v1 =	vld.idx.msk [tilespmem:v3+s2+$0x0], $0xffff  }
0x79: {  	v2 =	vld.idx.msk [tilespmem:v2+s2+$0x0], $0xffff;
	_ =	sdelay $0x2  }
.Ltmp2:
0x7a: {  	[tilespmem:s1+$0x0] =	vst v6;
	(pc) =	sbr.rel @p2 .LBB2_2-.Ltmp2, $4  }
0x7b: {  	_ = 	snop  }
0x7c: {  	s15 =	sand.u32 $0x7F0, s3;
	v5 =	vsub.f32 v7, v1;
	[tilespmem:s1+$0x640] =	vst v1  }
0x7d: {  	v1 =	vmov s18;
	v6 =	vsub.f32 v2, v6;
	[tilespmem:s15+$0x1900] =	vst v2  }
0x7e: {  	s16 =	smov.u32 s19;
	v3 =	vadd.s32 $0x70, v1;
	v2 =	vadd.s32 $0xE0, v1;
	v4 =	vadd.s32 $0x150, v1;
	[tilespmem:s1+$0x12C0] =	vst v7;
	s1 =	sadd.s32 $0x10, s1  }
0x7f: {  	v5 =	vmul.f32 v5, v6;
	_ =	sdelay $0x1  }
0x80: {  	[tilespmem:s15+$0x2580] =	vst v5  }
0x81: {  	[tilespmem:s4+$0x0] =	vst v0  }
0x82: {  	v0 =	vld.idx.msk [tilespmem:v1+s2+$0x0], $0xffff  }
0x83: {  	v4 =	vld.idx.msk [tilespmem:v4+s2+$0x0], $0xffff  }
0x84: {  	v3 =	vld.idx.msk [tilespmem:v3+s2+$0x0], $0xffff  }
0x85: {  	v2 =	vld.idx.msk [tilespmem:v2+s2+$0x0], $0xffff;
	_ =	sdelay $0x4  }
0x86: {  	s3 =	sadd.s32 $0x10, s3;
	[tilespmem:s1+$0x0] =	vst v0;
	v63 =	vsub.f32 v4, v3;
	v0 =	vsub.f32 v2, v0  }
0x87: {  	s3 =	sand.u32 $0x7F0, s3;
	[tilespmem:s1+$0x640] =	vst v3  }
0x88: {  	[tilespmem:s3+$0x1900] =	vst v2;
	v0 =	vmul.f32 v63, v0  }
0x89: {  	[tilespmem:s1+$0x12C0] =	vst v4  }
0x8a: {  	s0 =	sadd.s32 $0x10, s0;
	[tilespmem:s3+$0x2580] =	vst v0  }
0x8b: {  	[tilespmem:s0+$0x0] =	vst v1;
	s0 =	simm.s32 @p0 $0x2  }
0x8c: {  	_ =	swait.ge @p0 [sflag:s0], $0xA0  }
0x8d: {  	[sflag:s0] =	ssyncset.done @p0 $0x0  }
0x8e: {  	[sflag:s0] =	ssyncadd.s32 @p0 $0xFFFFFF60  }
0x8f: {  	_ =	swait.ge @p0 [sflag:s0], $0xA0  }
0x90: {  	[sflag:s0] =	ssyncset.done @p0 $0x0  }
0x91: {  	[sflag:s0] =	ssyncadd.s32 @p0 $0xFFFFFF60  }
0x92: {  	_ =	swait.ge @p0 [sflag:s0], $0xA0  }
0x93: {  	[sflag:s0] =	ssyncset.done @p0 $0x0  }
0x94: {  	[sflag:s0] =	ssyncadd.s32 @p0 $0xFFFFFF60  }
0x95: {  	_ =	swait.ge @p0 [sflag:s0], $0xA0  }
0x96: {  	[sflag:s0] =	ssyncset.done @p0 $0x0  }
0x97: {  	[sflag:s0] =	ssyncadd.s32 @p0 $0xFFFFFF60;
	s0 =	simm.s32 @!p0 $0x2  }
0x98: {  	_ =	swait.ge @!p0 [sflag:s0], $0x280  }
0x99: {  	[sflag:s0] =	ssyncset.done @!p0 $0x0  }
0x9a: {  	[sflag:s0] =	ssyncadd.s32 @!p0 $0xFFFFFD80  }
0x9b: {  	_ =	swait.ge @!p0 [sflag:s0], $0x280  }
0x9c: {  	[sflag:s0] =	ssyncset.done @!p0 $0x0  }
0x9d: {  	[sflag:s0] =	ssyncadd.s32 @!p0 $0xFFFFFD80  }
0x9e: {  	_ =	swait.ge @!p0 [sflag:s0], $0x280  }
0x9f: {  	[sflag:s0] =	ssyncset.done @!p0 $0x0  }
0xa0: {  	[sflag:s0] =	ssyncadd.s32 @!p0 $0xFFFFFD80  }
0xa1: {  	_ =	swait.ge @!p0 [sflag:s0], $0x280  }
0xa2: {  	[sflag:s0] =	ssyncset.done @!p0 $0x0  }
0xa3: {  	s3 =	simm.s32 $0x0;
	[sflag:s0] =	ssyncadd.s32 @!p0 $0xFFFFFD80  }
.LBB2_4:
0xa4: {  	s1 =	smul.u32 $0x50, s3;
	s4 =	simm.s32 $0xC80  }
0xa5: {  	v24 =	vld [tilespmem:s4+$0x640]  }
0xa6: {  	v10 =	vld [tilespmem:s1+$0x0]  }
0xa7: {  	v11 =	vld [tilespmem:s1+$0x10]  }
0xa8: {  	v12 =	vld [tilespmem:s1+$0x20]  }
0xa9: {  	v13 =	vld [tilespmem:s1+$0x30]  }
0xaa: {  	v15 =	vld [tilespmem:s1+$0x280]  }
0xab: {  	v16 =	vld [tilespmem:s1+$0x290]  }
0xac: {  	v17 =	vld [tilespmem:s1+$0x2A0]  }
0xad: {  	v18 =	vld [tilespmem:s1+$0x2B0]  }
0xae: {  	v19 =	vld [tilespmem:s1+$0x2C0]  }
0xaf: {  	v20 =	vld [tilespmem:s1+$0x500]  }
0xb0: {  	v21 =	vld [tilespmem:s1+$0x510]  }
0xb1: {  	v4 =	vld [tilespmem:s1+$0x520]  }
0xb2: {  	v2 =	vld [tilespmem:s1+$0x530]  }
0xb3: {  	v22 =	vld [tilespmem:s1+$0x780]  }
0xb4: {  	v23 =	vld [tilespmem:s1+$0x790]  }
0xb5: {  	v25 =	vld [tilespmem:s1+$0x7A0]  }
0xb6: {  	v26 =	vld [tilespmem:s1+$0x7B0]  }
0xb7: {  	v27 =	vld [tilespmem:s1+$0x7C0]  }
0xb8: {  	v32 =	vld [tilespmem:s4+$0x12C0];
	v1 =	vsub.f32 v20, v10  }
0xb9: {  	v3 =	vsub.f32 v22, v15;
	v5 =	vsub.f32 v21, v11  }
0xba: {  	v6 =	vsub.f32 v23, v16;
	v8 =	vsub.f32 v4, v12  }
0xbb: {  	v9 =	vsub.f32 v25, v17;
	v28 =	vsub.f32 v2, v13  }
0xbc: {  	v14 =	vld [tilespmem:s1+$0x40];
	v29 =	vsub.f32 v26, v18;
	v33 =	vsub.f32 v27, v19;
	v60 =	vmax.f32 v24, v15  }
0xbd: {  	s0 =	sand.u32 $0x7F0, s31;
	v0 =	vld [tilespmem:s1+$0x540];
	v34 =	vmin.f32 v32, v22;
	v36 =	vmax.f32 v24, v16;
	v38 =	vmin.f32 v32, v23  }
0xbe: {  	v7 =	vld [tilespmem:s0+$0x2580];
	v39 =	vmax.f32 v24, v17;
	v40 =	vmin.f32 v32, v25;
	v41 =	vmax.f32 v24, v18  }
0xbf: {  	v42 =	vmin.f32 v32, v26;
	v24 =	vmax.f32 v24, v19;
	v36 =	vsub.f32 v38, v36  }
0xc0: {  	v32 =	vmin.f32 v32, v27;
	v62 =	vsub.f32 v40, v39;
	v48 =	vsub.f32 v42, v41  }
0xc1: {  	v24 =	vsub.f32 v32, v24;
	v30 =	vmul.f32 v3, v1;
	v31 =	vmul.f32 v6, v5;
	v6 =	vld [tilespmem:s4+$0x0]  }
0xc2: {  	v1 =	vsub.f32 v0, v14;
	v5 =	vmul.f32 v9, v8;
	v3 =	vmul.f32 v29, v28;
	v29 =	vld [tilespmem:s0+$0x1900]  }
0xc3: {  	v8 =	vimm.f32 $0.0e+00;
	v9 =	vadd.f32 v7, v30;
	v35 =	vadd.f32 v7, v31  }
0xc4: {  	v28 =	vimm.f32 $1.000000000e+00;
	v1 =	vmul.f32 v33, v1;
	v33 =	vsub.f32 v34, v60  }
0xc5: {  	v55 =	vadd.f32 v7, v3;
	v54 =	vmul.f32 v9, v8;
	v57 =	vmul.f32 v35, v8  }
0xc6: {  	v58 =	vadd.f32 v7, v1;
	v43 =	vmax.f32 v6, v10;
	v44 =	vmax.f32 v6, v11  }
0xc7: {  	v45 =	vmax.f32 v6, v12;
	v46 =	vmax.f32 v6, v13;
	v47 =	vmin.f32 v29, v20  }
0xc8: {  	v6 =	vmax.f32 v6, v14;
	v61 =	vmin.f32 v29, v21;
	v63 =	vmin.f32 v29, v4  }
0xc9: {  	v50 =	vmin.f32 v29, v2;
	v49 =	vsub.f32 v47, v43;
	v34 =	vsub.f32 v61, v44  }
0xca: {  	v29 =	vmin.f32 v29, v0;
	v39 =	vsub.f32 v63, v45;
	v41 =	vsub.f32 v50, v46  }
0xcb: {  	s19 =	simm.s32 $0xC90;
	v6 =	vsub.f32 v29, v6;
	v61 =	vmul.f32 v55, v8;
	v63 =	vmul.f32 v58, v8  }
0xcc: {  	v50 =	vld [tilespmem:s19+$0x12C0];
	v32 =	vmax.f32 v49, $0.0e+00;
	v34 =	vmax.f32 v34, $0.0e+00;
	v51 =	vmax.f32 v39, $0.0e+00  }
0xcd: {  	v52 =	vmax.f32 v41, $0.0e+00;
	v29 =	vmul.f32 v33, v32;
	v34 =	vmul.f32 v36, v34  }
0xce: {  	v6 =	vmax.f32 v6, $0.0e+00;
	v38 =	vmul.f32 v62, v51;
	v33 =	vmul.f32 v48, v52  }
0xcf: {  	v37 =	vimm.s32 $0x0;
	s18 =	simm.s32 $0x2C00;
	v6 =	vmul.f32 v24, v6;
	v24 =	vmul.f32 v29, v28  }
0xd0: {  	v59 =	vld [tilespmem:s18+$0x0];
	v53 =	vadd.f32 v7, v5;
	v56 =	vmul.f32 v34, v28;
	v7 =	vmul.f32 v38, v28  }
0xd1: {  	v48 =	vld [tilespmem:s19+$0x640];
	v60 =	vmul.f32 v33, v28;
	v62 =	vmul.f32 v6, v28;
	v47 =	vmin.f32 v50, v26  }
0xd2: {  	v51 =	vld [tilespmem:s19+$0x0];
	v43 =	vmin.f32 v50, v27;
	vm1 =	vgt.f32 v24, v54;
	v24 =	vmul.f32 v53, v8  }
0xd3: {  	vm2 =	vgt.f32 v56, v57;
	vm4 =	vgt.f32 v60, v61;
	vm5 =	vgt.f32 v62, v63  }
0xd4: {  	v61 =	vmin.f32 v50, v25;
	v39 =	vsel vm1, v9, v28;
	v36 =	vsel vm2, v34, v8  }
0xd5: {  	v35 =	vsel vm2, v35, v28;
	v41 =	vsel vm1, v29, v8;
	v42 =	vsel vm1, v59, v37  }
0xd6: {  	v29 =	vsel vm4, v59, v37;
	v44 =	vmax.f32 v48, v15;
	v60 =	vmax.f32 v48, v17  }
0xd7: {  	s21 =	simm.s32 $0x10;
	v46 =	vmax.f32 v48, v18;
	v54 =	vmax.f32 v51, v10;
	vm3 =	vgt.f32 v7, v24  }
0xd8: {  	s0 =	sand.u32 $0x7F0, s21;
	v24 =	vsel vm4, v55, v28;
	v7 =	vsel vm5, v6, v8;
	v6 =	vsel vm5, v58, v28  }
0xd9: {  	v9 =	vld [tilespmem:s0+$0x2580];
	v32 =	vsel vm3, v53, v28;
	v34 =	vsel vm3, v38, v8;
	v28 =	vsel vm4, v33, v8  }
0xda: {  	v38 =	vsel vm2, v59, v37;
	v33 =	vsel vm3, v59, v37;
	v8 =	vsel vm5, v59, v37;
	v37 =	vld [tilespmem:s0+$0x1900]  }
0xdb: {  	v40 =	vmax.f32 v48, v19;
	v52 =	vmax.f32 v51, v11;
	v58 =	vmax.f32 v48, v16  }
0xdc: {  	v48 =	vmax.f32 v51, v13;
	v53 =	vmin.f32 v50, v22;
	v59 =	vmin.f32 v50, v23  }
0xdd: {  	v50 =	vmax.f32 v51, v12;
	v56 =	vsub.f32 v53, v44;
	v53 =	vsub.f32 v59, v58  }
0xde: {  	s20 =	simm.s32 $0x20;
	s16 =	sadd.s32 $0x20, s1;
	v44 =	vmax.f32 v51, v14;
	v51 =	vsub.f32 v61, v60;
	v49 =	vadd.f32 v9, v30  }
0xdf: {  	s15 =	sadd.s32 $0x30, s1;
	s4 =	sadd.s32 $0x40, s1;
	s0 =	sadd.s32 $0x10, s1;
	v45 =	vadd.f32 v9, v31;
	v57 =	vmin.f32 v37, v20;
	v55 =	vmin.f32 v37, v21  }
.LBB2_5:
0xe0: {  	p2 =	sne.s32 s20, $0x630;
	v58 =	vmin.f32 v37, v4;
	v46 =	vsub.f32 v47, v46;
	v40 =	vsub.f32 v43, v40  }
0xe1: {  	v43 =	vsub.f32 v57, v54;
	v47 =	vsub.f32 v55, v52;
	v52 =	vmin.f32 v37, v2  }
0xe2: {  	v37 =	vmin.f32 v37, v0;
	v50 =	vsub.f32 v58, v50;
	v48 =	vsub.f32 v52, v48  }
0xe3: {  	v37 =	vsub.f32 v37, v44;
	v43 =	vmax.f32 v43, $0.0e+00;
	v47 =	vmax.f32 v47, $0.0e+00  }
0xe4: {  	v43 =	vmul.f32 v56, v43;
	v44 =	vmax.f32 v50, $0.0e+00;
	v48 =	vmax.f32 v48, $0.0e+00  }
0xe5: {  	v47 =	vmul.f32 v53, v47;
	v37 =	vmax.f32 v37, $0.0e+00;
	v44 =	vmul.f32 v51, v44  }
0xe6: {  	v50 =	vadd.f32 v9, v5;
	v46 =	vmul.f32 v46, v48;
	v37 =	vmul.f32 v40, v37  }
0xe7: {  	v48 =	vmul.f32 v49, v41;
	v51 =	vadd.f32 v9, v3;
	v40 =	vmul.f32 v43, v39  }
0xe8: {  	v54 =	vadd.f32 v9, v1;
	v53 =	vmul.f32 v45, v36;
	v52 =	vmul.f32 v47, v35  }
0xe9: {  	s18 =	sadd.s32 $0x10, s18;
	vm1 =	vgt.f32 v40, v48;
	v40 =	vmul.f32 v44, v32;
	v48 =	vmul.f32 v50, v34  }
0xea: {  	s21 =	sand.u32 $0x7F0, s20;
	v56 =	vmul.f32 v51, v28;
	v39 =	vsel vm1, v49, v39;
	v49 =	vmul.f32 v46, v24;
	v55 =	vld [tilespmem:s18+$0x0]  }
0xeb: {  	s19 =	sadd.s32 $0x10, s19;
	vm2 =	vgt.f32 v52, v53;
	v52 =	vmul.f32 v37, v6;
	v53 =	vmul.f32 v54, v7;
	v9 =	vld [tilespmem:s21+$0x2580]  }
0xec: {  	v36 =	vsel vm2, v47, v36;
	v35 =	vsel vm2, v45, v35;
	vm3 =	vgt.f32 v40, v48;
	v57 =	vld [tilespmem:s19+$0x640]  }
0xed: {  	vm5 =	vgt.f32 v52, v53;
	v32 =	vsel vm3, v50, v32;
	vm4 =	vgt.f32 v49, v56;
	v48 =	vld [tilespmem:s19+$0x12C0]  }
0xee: {  	v7 =	vsel vm5, v37, v7;
	v6 =	vsel vm5, v54, v6;
	v24 =	vsel vm4, v51, v24  }
0xef: {  	v41 =	vsel vm1, v43, v41;
	v34 =	vsel vm3, v44, v34;
	v28 =	vsel vm4, v46, v28  }
0xf0: {  	v42 =	vsel vm1, v55, v42;
	v38 =	vsel vm2, v55, v38;
	v33 =	vsel vm3, v55, v33;
	v44 =	vld [tilespmem:s19+$0x0]  }
0xf1: {  	v29 =	vsel vm4, v55, v29;
	v8 =	vsel vm5, v55, v8;
	v49 =	vadd.f32 v9, v30  }
0xf2: {  	v45 =	vadd.f32 v9, v31;
	v51 =	vmax.f32 v57, v15;
	v37 =	vld [tilespmem:s21+$0x1900];
	v53 =	vmin.f32 v48, v22  }
0xf3: {  	v58 =	vmax.f32 v57, v16;
	v60 =	vmax.f32 v57, v17;
	v59 =	vmin.f32 v48, v23  }
.Ltmp3:
0xf4: {  	v46 =	vmax.f32 v57, v18;
	v61 =	vmin.f32 v48, v25;
	v47 =	vmin.f32 v48, v26;
	(pc) =	sbr.rel @p2 .LBB2_5-.Ltmp3, $4  }
0xf5: {  	v40 =	vmax.f32 v57, v19;
	v43 =	vmin.f32 v48, v27;
	v54 =	vmax.f32 v44, v10  }
0xf6: {  	v52 =	vmax.f32 v44, v11;
	v50 =	vmax.f32 v44, v12;
	v48 =	vmax.f32 v44, v13  }
0xf7: {  	v56 =	vsub.f32 v53, v51;
	v44 =	vmax.f32 v44, v14;
	v57 =	vmin.f32 v37, v20  }
0xf8: {  	s20 =	sadd.s32 $0x10, s20;
	v53 =	vsub.f32 v59, v58;
	v51 =	vsub.f32 v61, v60;
	v55 =	vmin.f32 v37, v21  }
0xf9: {  	v10 =	vsub.f32 v57, v54;
	_ =	sdelay $0x1  }
0xfa: {  	v10 =	vmax.f32 v10, $0.0e+00  }
0xfb: {  	v10 =	vmul.f32 v56, v10;
	_ =	sdelay $0x1  }
0xfc: {  	v12 =	vmul.f32 v49, v41;
	v11 =	vmul.f32 v10, v39;
	_ =	sdelay $0x1  }
0xfd: {  	vm1 =	vgt.f32 v11, v12  }
0xfe: {  	s18 =	sadd.s32 $0x10, s18;
	v11 =	vsel vm1, v49, v39;
	v12 =	vsel vm1, v10, v41  }
0xff: {  	v62 =	vld [tilespmem:s18+$0x0];
	v11 =	vsub.f32 v11, v12;
	_ =	sdelay $0x1  }
0x100: {  	(erf) = vrcp.f32 v11;
	_ =	sdelay $0x2  }
0x101: {  	v63 =	vsel vm1, v62, v42;
	_ =	sdelay $0x4  }
0x102: {  	v13 =	vld.idx.msk [tilespmem:v63+s17+$0x0], $0xffff  }
0x103: {  	v14 =	vpop (erf)  }
0x104: {  	v12 =	vmul.f32 v14, v12;
	_ =	sdelay $0x1  }
0x105: {  	[tilespmem:s1+$0x3500] =	vst v63;
	vm1 =	vge.f32 v12, $5.000000000e-01  }
0x106: {  	[tilespmem:s1+$0x3280] =	vst v12;
	v18 =	vnsel vm1, $0x50, v13  }
0x107: {  	[tilespmem:s1+$0x3780] =	vst v18  }
0x108: {  	v12 =	vld.idx.msk [tilespmem:v63+s2+$0x0], $0xffff  }
0x109: {  	v19 =	vadd.s32 $0x70, v63;
	_ =	sdelay $0x3  }
0x10a: {  	v20 =	vsub.f32 v55, v52;
	[tilespmem:s1+$0x3A00] =	vst v12  }
0x10b: {  	v12 =	vld.idx.msk [tilespmem:v19+s2+$0x0], $0xffff  }
0x10c: {  	v21 =	vmax.f32 v20, $0.0e+00;
	v22 =	vadd.s32 $0xE0, v63  }
0x10d: {  	v13 =	vmul.f32 v53, v21;
	_ =	sdelay $0x1  }
0x10e: {  	v16 =	vmul.f32 v45, v36;
	v15 =	vmul.f32 v13, v35  }
0x10f: {  	[tilespmem:s1+$0x3C80] =	vst v12  }
0x110: {  	vm1 =	vgt.f32 v15, v16;
	v12 =	vld.idx.msk [tilespmem:v22+s2+$0x0], $0xffff  }
0x111: {  	v11 =	vadd.s32 $0x150, v63;
	v13 =	vsel vm1, v13, v36;
	v23 =	vsel vm1, v45, v35  }
0x112: {  	v14 =	vsub.f32 v23, v13;
	_ =	sdelay $0x1  }
0x113: {  	(erf) = vrcp.f32 v14  }
0x114: {  	[tilespmem:s1+$0x3F00] =	vst v12  }
0x115: {  	v11 =	vld.idx.msk [tilespmem:v11+s2+$0x0], $0xffff  }
0x116: {  	v25 =	vsel vm1, v62, v38;
	_ =	sdelay $0x3  }
0x117: {  	[tilespmem:s1+$0x4180] =	vst v11  }
0x118: {  	v11 =	vld.idx.msk [tilespmem:v25+s17+$0x0], $0xffff  }
0x119: {  	v14 =	vpop (erf)  }
0x11a: {  	v13 =	vmul.f32 v14, v13;
	_ =	sdelay $0x1  }
0x11b: {  	vm1 =	vge.f32 v13, $5.000000000e-01;
	[tilespmem:s0+$0x3280] =	vst v13  }
0x11c: {  	[tilespmem:s0+$0x3500] =	vst v25;
	v11 =	vnsel vm1, $0x50, v11  }
0x11d: {  	[tilespmem:s0+$0x3780] =	vst v11  }
0x11e: {  	v11 =	vld.idx.msk [tilespmem:v25+s2+$0x0], $0xffff  }
0x11f: {  	v26 =	vadd.s32 $0x70, v25;
	_ =	sdelay $0x2  }
0x120: {  	v4 =	vmin.f32 v37, v4  }
0x121: {  	v4 =	vsub.f32 v4, v50;
	[tilespmem:s0+$0x3A00] =	vst v11  }
0x122: {  	v11 =	vld.idx.msk [tilespmem:v26+s2+$0x0], $0xffff  }
0x123: {  	v4 =	vmax.f32 v4, $0.0e+00;
	v27 =	vadd.s32 $0xE0, v25  }
0x124: {  	v5 =	vadd.f32 v9, v5;
	v4 =	vmul.f32 v51, v4;
	_ =	sdelay $0x1  }
0x125: {  	v31 =	vmul.f32 v5, v34;
	v30 =	vmul.f32 v4, v32  }
0x126: {  	[tilespmem:s0+$0x3C80] =	vst v11  }
0x127: {  	vm1 =	vgt.f32 v30, v31;
	v11 =	vld.idx.msk [tilespmem:v27+s2+$0x0], $0xffff  }
0x128: {  	v12 =	vadd.s32 $0x150, v25;
	v5 =	vsel vm1, v5, v32;
	v4 =	vsel vm1, v4, v34  }
0x129: {  	v5 =	vsub.f32 v5, v4;
	_ =	sdelay $0x1  }
0x12a: {  	(erf) = vrcp.f32 v5  }
0x12b: {  	[tilespmem:s0+$0x3F00] =	vst v11  }
0x12c: {  	v34 =	vld.idx.msk [tilespmem:v12+s2+$0x0], $0xffff  }
0x12d: {  	v35 =	vsel vm1, v62, v33;
	_ =	sdelay $0x3  }
0x12e: {  	[tilespmem:s0+$0x4180] =	vst v34  }
0x12f: {  	v5 =	vld.idx.msk [tilespmem:v35+s17+$0x0], $0xffff  }
0x130: {  	v36 =	vpop (erf)  }
0x131: {  	v4 =	vmul.f32 v36, v4;
	_ =	sdelay $0x1  }
0x132: {  	vm1 =	vge.f32 v4, $5.000000000e-01;
	[tilespmem:s16+$0x3280] =	vst v4  }
0x133: {  	[tilespmem:s16+$0x3500] =	vst v35;
	v38 =	vnsel vm1, $0x50, v5  }
0x134: {  	[tilespmem:s16+$0x3780] =	vst v38  }
0x135: {  	v4 =	vld.idx.msk [tilespmem:v35+s2+$0x0], $0xffff  }
0x136: {  	v39 =	vadd.s32 $0x70, v35;
	_ =	sdelay $0x2  }
0x137: {  	v2 =	vmin.f32 v37, v2  }
0x138: {  	v2 =	vsub.f32 v2, v48;
	[tilespmem:s16+$0x3A00] =	vst v4  }
0x139: {  	v41 =	vsub.f32 v47, v46;
	v5 =	vld.idx.msk [tilespmem:v39+s2+$0x0], $0xffff  }
0x13a: {  	v2 =	vmax.f32 v2, $0.0e+00;
	v42 =	vadd.s32 $0xE0, v35  }
0x13b: {  	v3 =	vadd.f32 v9, v3;
	v2 =	vmul.f32 v41, v2;
	_ =	sdelay $0x1  }
0x13c: {  	v45 =	vmul.f32 v3, v28;
	v4 =	vmul.f32 v2, v24  }
0x13d: {  	[tilespmem:s16+$0x3C80] =	vst v5  }
0x13e: {  	vm1 =	vgt.f32 v4, v45;
	v46 =	vld.idx.msk [tilespmem:v42+s2+$0x0], $0xffff  }
0x13f: {  	v47 =	vadd.s32 $0x150, v35;
	v3 =	vsel vm1, v3, v24;
	v2 =	vsel vm1, v2, v28  }
0x140: {  	v3 =	vsub.f32 v3, v2;
	_ =	sdelay $0x1  }
0x141: {  	(erf) = vrcp.f32 v3  }
0x142: {  	[tilespmem:s16+$0x3F00] =	vst v46  }
0x143: {  	v48 =	vld.idx.msk [tilespmem:v47+s2+$0x0], $0xffff  }
0x144: {  	v49 =	vsel vm1, v62, v29;
	_ =	sdelay $0x3  }
0x145: {  	[tilespmem:s16+$0x4180] =	vst v48  }
0x146: {  	v3 =	vld.idx.msk [tilespmem:v49+s17+$0x0], $0xffff  }
0x147: {  	v50 =	vpop (erf)  }
0x148: {  	v2 =	vmul.f32 v50, v2;
	_ =	sdelay $0x1  }
0x149: {  	vm1 =	vge.f32 v2, $5.000000000e-01;
	[tilespmem:s15+$0x3280] =	vst v2  }
0x14a: {  	[tilespmem:s15+$0x3500] =	vst v49;
	v51 =	vnsel vm1, $0x50, v3  }
0x14b: {  	[tilespmem:s15+$0x3780] =	vst v51  }
0x14c: {  	v2 =	vld.idx.msk [tilespmem:v49+s2+$0x0], $0xffff  }
0x14d: {  	v52 =	vadd.s32 $0x70, v49;
	_ =	sdelay $0x2  }
0x14e: {  	v0 =	vmin.f32 v37, v0  }
0x14f: {  	v0 =	vsub.f32 v0, v44;
	[tilespmem:s15+$0x3A00] =	vst v2  }
0x150: {  	v53 =	vsub.f32 v43, v40;
	v3 =	vld.idx.msk [tilespmem:v52+s2+$0x0], $0xffff  }
0x151: {  	v0 =	vmax.f32 v0, $0.0e+00;
	v54 =	vadd.s32 $0xE0, v49  }
0x152: {  	v1 =	vadd.f32 v9, v1;
	v0 =	vmul.f32 v53, v0;
	_ =	sdelay $0x1  }
0x153: {  	v9 =	vmul.f32 v1, v7;
	v2 =	vmul.f32 v0, v6  }
0x154: {  	[tilespmem:s15+$0x3C80] =	vst v3  }
0x155: {  	vm1 =	vgt.f32 v2, v9;
	v55 =	vld.idx.msk [tilespmem:v54+s2+$0x0], $0xffff  }
0x156: {  	v56 =	vadd.s32 $0x150, v49;
	v0 =	vsel vm1, v0, v7;
	v1 =	vsel vm1, v1, v6  }
0x157: {  	v1 =	vsub.f32 v1, v0;
	_ =	sdelay $0x1  }
0x158: {  	(erf) = vrcp.f32 v1  }
0x159: {  	[tilespmem:s15+$0x3F00] =	vst v55  }
0x15a: {  	v57 =	vld.idx.msk [tilespmem:v56+s2+$0x0], $0xffff  }
0x15b: {  	v58 =	vsel vm1, v62, v8;
	_ =	sdelay $0x3  }
0x15c: {  	[tilespmem:s15+$0x4180] =	vst v57  }
0x15d: {  	v1 =	vld.idx.msk [tilespmem:v58+s17+$0x0], $0xffff  }
0x15e: {  	v59 =	vpop (erf)  }
0x15f: {  	v0 =	vmul.f32 v59, v0;
	_ =	sdelay $0x1  }
0x160: {  	vm1 =	vge.f32 v0, $5.000000000e-01;
	[tilespmem:s4+$0x3280] =	vst v0  }
0x161: {  	[tilespmem:s4+$0x3500] =	vst v58;
	v60 =	vnsel vm1, $0x50, v1  }
0x162: {  	[tilespmem:s4+$0x3780] =	vst v60  }
0x163: {  	v0 =	vld.idx.msk [tilespmem:v58+s2+$0x0], $0xffff  }
0x164: {  	v61 =	vadd.s32 $0x70, v58;
	_ =	sdelay $0x3  }
0x165: {  	[tilespmem:s4+$0x3A00] =	vst v0  }
0x166: {  	v0 =	vld.idx.msk [tilespmem:v61+s2+$0x0], $0xffff  }
0x167: {  	v62 =	vadd.s32 $0xE0, v58;
	_ =	sdelay $0x3  }
0x168: {  	[tilespmem:s4+$0x3C80] =	vst v0  }
0x169: {  	v0 =	vld.idx.msk [tilespmem:v62+s2+$0x0], $0xffff  }
0x16a: {  	v63 =	vadd.s32 $0x150, v58;
	_ =	sdelay $0x3  }
0x16b: {  	s3 =	sadd.s32 $0x1, s3;
	[tilespmem:s4+$0x3F00] =	vst v0  }
0x16c: {  	p2 =	sne.s32 s3, $0x8;
	v0 =	vld.idx.msk [tilespmem:v63+s2+$0x0], $0xffff  }
.Ltmp4:
0x16d: {  	_ = 	snop;
	(pc) =	sbr.rel @p2 .LBB2_4-.Ltmp4, $2  }
0x16e: {  	_ =	sdelay $0x2  }
0x16f: {  	[tilespmem:s4+$0x4180] =	vst v0  }
.Ltmp5:
0x170: {  	(pc) =	sbr.rel @p0 .LBB2_9-.Ltmp5, $1  }
0x171: {  	_ =	sdelay $0x3  }
0x172: {  	v0 =	vld @!p1 [tilespmem:$0xC00]  }
0x173: {  	v1 =	vimm.f32 @!p1 $0.0e+00  }
0x174: {  	[tilespmem:$0x4400] =	vst @!p1 v1  }
0x175: {  	[tilespmem:$0x4410] =	vst @!p1 v1  }
0x176: {  	[tilespmem:$0x4420] =	vst @!p1 v1  }
0x177: {  	[tilespmem:$0x4430] =	vst @!p1 v1  }
0x178: {  	[tilespmem:$0x4440] =	vst @!p1 v1;
	v1 =	vsel @!p1 vm0, $0x3F800000, v1  }
0x179: {  	s0 =	simm.s32 @!p1 $0x4400;
	[tilespmem:$0x4450] =	vst @!p1 v1;
	v1 =	vimm.f32 @!p1 $1.000000000e+00  }
0x17a: {  	[tilespmem:v0+s0+$0x0] =	vst.idx.msk @!p1 $0xffff, v1  }
0x17b: {  	v0 =	vld @!p1 [tilespmem:$0xC10];
	_ =	sdelay $0x7  }
0x17c: {  	[tilespmem:v0+s0+$0x0] =	vst.idx.msk @!p1 $0xffff, v1  }
0x17d: {  	v0 =	vld @!p1 [tilespmem:$0xC20];
	_ =	sdelay $0x7  }
0x17e: {  	[tilespmem:v0+s0+$0x0] =	vst.idx.msk @!p1 $0xffff, v1  }
0x17f: {  	v0 =	vld @!p1 [tilespmem:$0xC30];
	_ =	sdelay $0x7  }
0x180: {  	[tilespmem:v0+s0+$0x0] =	vst.idx.msk @!p1 $0xffff, v1  }
0x181: {  	v0 =	vld @!p1 [tilespmem:$0xC40];
	_ =	sdelay $0x7  }
0x182: {  	[tilespmem:v0+s0+$0x0] =	vst.idx.msk @!p1 $0xffff, v1  }
0x183: {  	v0 =	vld @!p1 [tilespmem:$0xC50];
	_ =	sdelay $0x7  }
0x184: {  	[tilespmem:v0+s0+$0x0] =	vst.idx.msk @!p1 $0xffff, v1  }
0x185: {  	v0 =	vld @!p1 [tilespmem:$0xC60];
	_ =	sdelay $0x7  }
0x186: {  	s1 =	simm.s32 @!p1 $0x0;
	s3 =	rddreg [dreg:$0x6];
	[tilespmem:v0+s0+$0x0] =	vst.idx.msk @!p1 $0xf, v1  }
0x187: {  	[hbm4b:s3+s1] =	stream.linear.scatter @!p1 [tilespmem:s0], [sflag:$0x3], $0x51, $0x38;
	[tilespmem:$0x4480] =	vst v63  }
0x188: {  	s0 =	simm.s32 @!p1 $0x3  }
0x189: {  	_ =	swait.ge @!p1 [sflag:s0], $0x51  }
0x18a: {  	[sflag:s0] =	ssyncset.done @!p1 $0x0  }
0x18b: {  	s21 =	simm.s32 $0x3280;
	s20 =	rddreg [dreg:$0xb];
	[sflag:s0] =	ssyncadd.s32 @!p1 $0xFFFFFFAF  }
0x18c: {  	[hbm4b:s20+s5] =	stream.linear.scatter [tilespmem:s21], [sflag:$0x1], $0x280, $0x38;
	[tilespmem:$0x4480] =	vst v63  }
0x18d: {  	s3 =	simm.s32 $0x3500;
	s1 =	rddreg [dreg:$0xc]  }
0x18e: {  	[hbm4b:s1+s5] =	stream.linear.scatter [tilespmem:s3], [sflag:$0x1], $0x280, $0x38;
	[tilespmem:$0x4480] =	vst v63  }
0x18f: {  	s15 =	simm.s32 $0x3780;
	s4 =	rddreg [dreg:$0xd]  }
0x190: {  	[hbm4b:s4+s5] =	stream.linear.scatter [tilespmem:s15], [sflag:$0x1], $0x280, $0x38;
	[tilespmem:$0x4480] =	vst v63  }
0x191: {  	s18 =	simm.s32 $0x3A00;
	s16 =	rddreg [dreg:$0xe]  }
0x192: {  	[hbm4b:s16+s5] =	stream.linear.scatter [tilespmem:s18], [sflag:$0x1], $0x280, $0x38;
	[tilespmem:$0x4480] =	vst v63  }
0x193: {  	s19 =	simm.s32 $0x3C80  }
0x194: {  	[hbm4b:s22+s5] =	stream.linear.scatter [tilespmem:s19], [sflag:$0x1], $0x280, $0x38;
	[tilespmem:$0x4480] =	vst v63  }
0x195: {  	s20 =	simm.s32 $0x3F00  }
0x196: {  	[hbm4b:s23+s5] =	stream.linear.scatter [tilespmem:s20], [sflag:$0x1], $0x280, $0x38;
	[tilespmem:$0x4480] =	vst v63  }
0x197: {  	s21 =	simm.s32 $0x4180  }
0x198: {  	[hbm4b:s24+s5] =	stream.linear.scatter [tilespmem:s21], [sflag:$0x1], $0x280, $0x38;
	[tilespmem:$0x4480] =	vst v63  }
0x199: {  	_ =	swait.ge [sflag:s29], $0x280  }
0x19a: {  	[sflag:s29] =	ssyncset.done $0x0  }
0x19b: {  	[sflag:s29] =	ssyncadd.s32 $0xFFFFFD80  }
0x19c: {  	_ =	swait.ge [sflag:s29], $0x280  }
0x19d: {  	[sflag:s29] =	ssyncset.done $0x0  }
0x19e: {  	[sflag:s29] =	ssyncadd.s32 $0xFFFFFD80  }
0x19f: {  	_ =	swait.ge [sflag:s29], $0x280  }
0x1a0: {  	[sflag:s29] =	ssyncset.done $0x0  }
0x1a1: {  	[sflag:s29] =	ssyncadd.s32 $0xFFFFFD80  }
0x1a2: {  	_ =	swait.ge [sflag:s29], $0x280  }
0x1a3: {  	[sflag:s29] =	ssyncset.done $0x0  }
0x1a4: {  	[sflag:s29] =	ssyncadd.s32 $0xFFFFFD80  }
0x1a5: {  	_ =	swait.ge [sflag:s29], $0x280  }
0x1a6: {  	[sflag:s29] =	ssyncset.done $0x0  }
0x1a7: {  	[sflag:s29] =	ssyncadd.s32 $0xFFFFFD80  }
0x1a8: {  	_ =	swait.ge [sflag:s29], $0x280  }
.Ltmp6:
0x1a9: {  	[sflag:s29] =	ssyncset.done $0x0;
	(pc) =	sbr.rel .LBB2_10-.Ltmp6, $4  }
0x1aa: {  	[sflag:s29] =	ssyncadd.s32 $0xFFFFFD80  }
0x1ab: {  	_ =	swait.ge [sflag:s29], $0x280  }
0x1ac: {  	[sflag:s29] =	ssyncset.done $0x0  }
0x1ad: {  	[sflag:s29] =	ssyncadd.s32 $0xFFFFFD80  }
.LBB2_11:
0x1ae: {  	_ =	sfence.sel $0x180000  }
0x1af: {  	[bflag:$0x0] =	sbarrier.arrive $0xFFFF  }
0x1b0: {  	_ =	strace $0x90000047  }
0x1b1: {  	s0 =	stileid.u32;
	[bflag:$0x2] =	sbarrier.arrive $0xFFFF  }
0x1b2: {  	p0 =	sne.s32 s0, $0x0;
	s0 =	rddreg [dreg:$0x7]  }
0x1b3: {  	s0 =	sadd.s32 @!p0 $0x100000, s0  }
0x1b4: {  	[sflag:s0] =	ssyncadd.tile.s32 @!p0 $0x1;
	_ =	shalt  }
.Lfunc_end2:
_tile_overlayer_lowered:
.L_overlay_start_2:
0x1b5: {  	(tag) =	ssettag $0x2  }
0x1b6: {  	s0 =	rddreg [dreg:$0x0];
	s2 =	stileid.u32  }
0x1b7: {  	s1 =	rddreg [dreg:$0x1];
	p0 =	sne.s32 s2, $0x0  }
0x1b8: {  	s3 =	rddreg [dreg:$0x2];
	[bflag:$0x3] =	sbarrier.arrive $0xFFFF;
	s2 =	simm.s32 @!p0 $0x1C03  }
0x1b9: {  	[timem:s3], [sflag:s2] =	dma.local @!p0 [hbm:s0], s1  }
0x1ba: {  	s0 =	simm.s32 @!p0 $0x3  }
0x1bb: {  	_ =	swait.ge @!p0 [sflag:s0], s1  }
0x1bc: {  	s1 =	ssub.s32 @!p0 $0x0, s1;
	[sflag:s0] =	ssyncset.done @!p0 $0x0  }
0x1bd: {  	[sflag:s0] =	ssyncadd.s32 @!p0 s1  }
0x1be: {  	[bflag:$0x3] =	sbarrier.arrive $0xFFFF  }
0x1bf: {  	_ =	shalt  }

</sc_bundles>
